<compile_context>
chip_gen: v7x
topology: tpu7x:2x2x1
jax: 0.10.2.dev20260603
libtpu: 0.0.44.dev20260713+nightly
codegen_flags: <defaults>
</compile_context>

<pallas_src>
import functools

import jax
import jax.numpy as jnp
from jax import lax
from jax.experimental import pallas as pl
from jax.experimental.pallas import tpu as pltpu
from jax.experimental.pallas import tpu_sc as plsc

NC = 2
NS = 16
CHUNK = 128
NBUF = 4
LAG = 2


def kernel(x, edge_index, W_self, b_self, W_neigh, b_neigh):
    n_nodes, feat = x.shape
    out_dim = W_self.shape[0]
    n_edges = edge_index.shape[1]
    hf = feat // 2

    wave = NS * CHUNK * 8
    edges_pad = -(-n_edges // wave) * wave
    rows = edges_pad // CHUNK
    rpt = rows // NS

    sh_rows = -(-(n_nodes + 1) // (NS * 8)) * NS * 8
    zrows = sh_rows // NS

    ei = edge_index.astype(jnp.int32)
    pad = edges_pad - n_edges
    src_flat = jnp.concatenate([ei[0], jnp.zeros((pad,), jnp.int32)])
    dst_p = jnp.concatenate([ei[1], jnp.full((pad,), n_nodes, jnp.int32)]
                            ).reshape(rows, CHUNK)
    src2 = jnp.stack([src_flat, src_flat + n_nodes]).reshape(NC, rows, CHUNK)
    xs = jnp.concatenate([x[:, :hf], x[:, hf:]], axis=0)
    z_agg = jnp.zeros((zrows, hf), jnp.float32)
    z_deg = jnp.zeros((zrows, 16), jnp.float32)

    mesh = plsc.VectorSubcoreMesh(core_axis_name="c", subcore_axis_name="s")

    @functools.partial(
        pl.kernel,
        mesh=mesh,
        compiler_params=pltpu.CompilerParams(use_tc_tiling_on_sc=False),
        out_type=(
            jax.ShapeDtypeStruct((NC, sh_rows, hf), jnp.float32),
            jax.ShapeDtypeStruct((NC, sh_rows, 16), jnp.float32),
        ),
        scratch_types=[
            pltpu.VMEM((rpt, CHUNK), jnp.int32),
            pltpu.VMEM((rpt, CHUNK), jnp.int32),
            pltpu.VMEM((NBUF, CHUNK, hf), jnp.float32),
            pltpu.VMEM((CHUNK, 16), jnp.float32),
            pltpu.VMEM_SHARED((sh_rows, hf), jnp.float32),
            pltpu.VMEM_SHARED((sh_rows, 16), jnp.float32),
            pltpu.SemaphoreType.DMA,
            pltpu.SemaphoreType.DMA,
        ],
    )
    def sc_agg(xs_hbm, src_hbm, dst_hbm, za_hbm, zd_hbm,
               agg_out, deg_out,
               src_v, dst_v, rows_v, ones_v, agg_sh, deg_sh, sem_g, sem_s):
        c = lax.axis_index("c")
        s = lax.axis_index("s")

        def fill_ones(i, _):
            ones_v[i, :] = jnp.ones((16,), jnp.float32)
            return 0
        lax.fori_loop(0, CHUNK, fill_ones, 0)

        r0 = s * zrows
        base = s * rpt
        pltpu.async_copy(za_hbm, agg_sh.at[pl.ds(r0, zrows)], sem_s)
        pltpu.async_copy(zd_hbm, deg_sh.at[pl.ds(r0, zrows)], sem_s)
        pltpu.async_copy(src_hbm.at[c, pl.ds(base, rpt)], src_v, sem_g)
        pltpu.async_copy(dst_hbm.at[pl.ds(base, rpt)], dst_v, sem_g)
        pltpu.make_async_copy(za_hbm, agg_sh.at[pl.ds(r0, zrows)], sem_s).wait()
        pltpu.make_async_copy(zd_hbm, deg_sh.at[pl.ds(r0, zrows)], sem_s).wait()
        pltpu.make_async_copy(src_hbm.at[c, pl.ds(base, rpt)], src_v, sem_g).wait()
        pltpu.make_async_copy(dst_hbm.at[pl.ds(base, rpt)], dst_v, sem_g).wait()
        plsc.subcore_barrier()

        half = rpt // 2

        def counted(j):
            return jnp.where(c == 0, j < half, j >= half)

        for b in range(LAG):
            pltpu.async_copy(xs_hbm.at[src_v.at[b]], rows_v.at[b], sem_g)

        def body(g, _):
            for b in range(NBUF):
                j = g * NBUF + b
                pltpu.make_async_copy(xs_hbm.at[src_v.at[j]], rows_v.at[b], sem_g).wait()
                pltpu.async_copy(rows_v.at[b], agg_sh.at[dst_v.at[j]], sem_s, add=True)

                @pl.when(counted(j))
                def _():
                    pltpu.async_copy(ones_v, deg_sh.at[dst_v.at[j]], sem_s, add=True)

                jl = j - LAG
                bl = (b - LAG) % NBUF

                @pl.when(jl >= 0)
                def _():
                    pltpu.make_async_copy(rows_v.at[bl], agg_sh.at[dst_v.at[jl]], sem_s).wait()

                @pl.when((jl >= 0) & counted(jl))
                def _():
                    pltpu.make_async_copy(ones_v, deg_sh.at[dst_v.at[jl]], sem_s).wait()

                nxt = j + LAG
                bn = (b + LAG) % NBUF

                @pl.when(nxt < rpt)
                def _():
                    pltpu.async_copy(xs_hbm.at[src_v.at[nxt]], rows_v.at[bn], sem_g)
            return 0
        lax.fori_loop(0, rpt // NBUF, body, 0)

        for k in range(rpt - LAG, rpt):
            pltpu.make_async_copy(rows_v.at[k % NBUF], agg_sh.at[dst_v.at[k]], sem_s).wait()

            @pl.when(counted(k))
            def _():
                pltpu.make_async_copy(ones_v, deg_sh.at[dst_v.at[k]], sem_s).wait()
        plsc.subcore_barrier()

        pltpu.sync_copy(agg_sh.at[pl.ds(r0, zrows)], agg_out.at[c, pl.ds(r0, zrows)])
        pltpu.sync_copy(deg_sh.at[pl.ds(r0, zrows)], deg_out.at[c, pl.ds(r0, zrows)])

    agg_p, deg_p = sc_agg(xs, src2, dst_p, z_agg, z_deg)

    bm = 1000
    grid = n_nodes // bm

    def tc_body(x_ref, a_ref, d_ref, ws_ref, wl_ref, wh_ref, bs_ref, bn_ref, o_ref):
        d = d_ref[0, :, 0:1] + d_ref[1, :, 0:1]
        h = jnp.dot(x_ref[...], ws_ref[...], preferred_element_type=jnp.float32)
        h = h + jnp.dot(a_ref[0], wl_ref[...], preferred_element_type=jnp.float32)
        h = h + jnp.dot(a_ref[1], wh_ref[...], preferred_element_type=jnp.float32)
        h = h + bs_ref[...] + d * bn_ref[...]
        o_ref[...] = jnp.maximum(h, 0.0)

    out = pl.pallas_call(
        tc_body,
        grid=(grid,),
        in_specs=[
            pl.BlockSpec((bm, feat), lambda i: (i, 0)),
            pl.BlockSpec((NC, bm, hf), lambda i: (0, i, 0)),
            pl.BlockSpec((NC, bm, 16), lambda i: (0, i, 0)),
            pl.BlockSpec((feat, out_dim), lambda i: (0, 0)),
            pl.BlockSpec((hf, out_dim), lambda i: (0, 0)),
            pl.BlockSpec((hf, out_dim), lambda i: (0, 0)),
            pl.BlockSpec((1, out_dim), lambda i: (0, 0)),
            pl.BlockSpec((1, out_dim), lambda i: (0, 0)),
        ],
        out_specs=pl.BlockSpec((bm, out_dim), lambda i: (i, 0)),
        out_shape=jax.ShapeDtypeStruct((n_nodes, out_dim), jnp.float32),
    )(x, agg_p, deg_p, W_self.T, W_neigh[:, :hf].T, W_neigh[:, hf:].T,
      b_self.reshape(1, -1), b_neigh.reshape(1, -1))
    return out

# --- scband reference (transcript-rebuilt; emitter-appended) ---
"""Pipeline reference for scband-graph-conv-layer-1735166787776 (READ-ONLY COPY).

The authoritative reference and input builder live on the scoring server;
editing this copy changes nothing except your own understanding.
"""

import jax, jax.numpy as jnp
import numpy as np

N_NODES = 10000
N_EDGES = 320000
IN_DIM = 128
OUT_DIM = 128

def setup_inputs(seed: int = 0) -> dict:
    key = jax.random.key(seed)
    k1, k2, k3, k4, k5, k6 = jax.random.split(key, 6)
    x = jax.random.normal(k1, (N_NODES, IN_DIM), dtype=jnp.float32)
    edge_index = jax.random.randint(k2, (2, N_EDGES), 0, N_NODES, dtype=jnp.int64)
    # Linear layer params (PyTorch convention: y = x @ W.T + b), kaiming-uniform-ish init
    bound = 1.0 / np.sqrt(IN_DIM)
    W_self = jax.random.uniform(k3, (OUT_DIM, IN_DIM), minval=-bound, maxval=bound, dtype=jnp.float32)
    b_self = jax.random.uniform(k4, (OUT_DIM,), minval=-bound, maxval=bound, dtype=jnp.float32)
    W_neigh = jax.random.uniform(k5, (OUT_DIM, IN_DIM), minval=-bound, maxval=bound, dtype=jnp.float32)
    b_neigh = jax.random.uniform(k6, (OUT_DIM,), minval=-bound, maxval=bound, dtype=jnp.float32)
    return {"x": x, "edge_index": edge_index, "W_self": W_self, "b_self": b_self, "W_neigh": W_neigh, "b_neigh": b_neigh}

def reference(x, edge_index, W_self, b_self, W_neigh, b_neigh):
    h_self = x @ W_self.T + b_self
    src = edge_index[0]
    dst = edge_index[1]
    num_nodes = x.shape[0]
    # gather source node features, transform, scatter-add into destinations
    messages = x[src] @ W_neigh.T + b_neigh
    h_neigh = jnp.zeros((num_nodes, W_neigh.shape[0]), dtype=x.dtype).at[dst].add(messages)
    return jax.nn.relu(h_self + h_neigh)

if __name__ == "__main__":
    import jax
    _d = setup_inputs()
    print(jax.jit(kernel)(*tuple(_d.values())))

</pallas_src>

<mosaic_0001>
#map = affine_map<(d0, d1) -> (0, 0)>
#map1 = affine_map<(d0, d1) -> (0, 0, 0)>
module attributes {stable_mosaic.version = 14 : i64} {
  func.func @sc_agg(%arg0: i32, %arg1: i32, %arg2: memref<20000x64xf32, #tpu.memory_space<hbm>>, %arg3: memref<2x2560x128xi32, #tpu.memory_space<hbm>>, %arg4: memref<2560x128xi32, #tpu.memory_space<hbm>>, %arg5: memref<632x64xf32, #tpu.memory_space<hbm>>, %arg6: memref<632x16xf32, #tpu.memory_space<hbm>>, %arg7: memref<2x10112x64xf32, #tpu.memory_space<hbm>>, %arg8: memref<2x10112x16xf32, #tpu.memory_space<hbm>>, %arg9: memref<160x128xi32, #tpu.memory_space<vmem>>, %arg10: memref<160x128xi32, #tpu.memory_space<vmem>>, %arg11: memref<4x128x64xf32, #tpu.memory_space<vmem>>, %arg12: memref<128x16xf32, #tpu.memory_space<vmem>>, %arg13: memref<10112x64xf32, #tpu.memory_space<vmem_shared>>, %arg14: memref<10112x16xf32, #tpu.memory_space<vmem_shared>>, %arg15: memref<!tpu.dma_semaphore, #tpu.memory_space<semaphore_mem>>, %arg16: memref<!tpu.dma_semaphore, #tpu.memory_space<semaphore_mem>>) attributes {dimension_semantics = [#tpu.dimension_semantics<core_parallel>, #tpu.dimension_semantics<subcore_parallel>], iteration_bounds = array<i64: 2, 16>, scalar_prefetch = 0 : i64, scratch_operands = 8 : i64, tpu.core_type = #tpu.core_type<sc_vector_subcore>, window_params = [{transform_indices = #map}, {transform_indices = #map1}, {transform_indices = #map}, {transform_indices = #map}, {transform_indices = #map}, {transform_indices = #map1}, {transform_indices = #map1}]} {
    %scan3A = arith.constant 0 : i32
    %scan3A_0 = arith.constant 0 : i32
    %scan3A_1 = arith.constant 128 : i32
    %scan3A_2 = arith.addi %scan3A_0, %scan3A_1 : i32
    %scan3A_3 = arith.constant 1 : i32
    %scan3A_4 = scf.for %scan3A_102 = %scan3A_0 to %scan3A_2 step %scan3A_3 iter_args(%scan3A_103 = %scan3A) -> (i32)  : i32 {
      %broadcast_in_dim3A = arith.constant 1.000000e+00 : f32
      %broadcast_in_dim3A_104 = vector.broadcast %broadcast_in_dim3A : f32 to vector<16xf32>
      %swap3A = arith.index_cast %scan3A_102 : i32 to index
      %swap3A_105 = arith.constant 0 : index
      %swap3A_106 = tpu.vector_load %arg12[%swap3A, %swap3A_105] {strides = array<i32>} : memref<128x16xf32, #tpu.memory_space<vmem>>, vector<1x16xf32>,
      %swap3A_107 = vector.shape_cast %swap3A_106 : vector<1x16xf32> to vector<16xf32>
      %swap3A_108 = vector.shape_cast %broadcast_in_dim3A_104 : vector<16xf32> to vector<1x16xf32>
      tpu.vector_store %arg12[%swap3A, %swap3A_105], %swap3A_108 {strides = array<i32>} : memref<128x16xf32, #tpu.memory_space<vmem>>, vector<1x16xf32>,
      %scan3A_109 = arith.constant 0 : i32
      scf.yield %scan3A_109 : i32
    }
    %scan3A_5 = arith.constant 128 : i32
    %mul3A = arith.constant 632 : i32
    %mul3A_6 = arith.muli %arg1, %mul3A : i32
    %mul3A_7 = arith.constant 160 : i32
    %mul3A_8 = arith.muli %arg1, %mul3A_7 : i32
    %dma_start3A = arith.constant 0 : i32
    %dma_start3A_9 = tpu.memref_slice %arg13[%mul3A_6, %dma_start3A] : memref<10112x64xf32, #tpu.memory_space<vmem_shared>> -> memref<632x64xf32, #tpu.memory_space<vmem_shared>>
    tpu.enqueue_dma source(%arg5 : memref<632x64xf32, #tpu.memory_space<hbm>>) target(%dma_start3A_9 : memref<632x64xf32, #tpu.memory_space<vmem_shared>>) target_semaphore(%arg16 : memref<!tpu.dma_semaphore, #tpu.memory_space<semaphore_mem>>)
    %dma_start3A_10 = arith.constant 0 : i32
    %dma_start3A_11 = tpu.memref_slice %arg14[%mul3A_6, %dma_start3A_10] : memref<10112x16xf32, #tpu.memory_space<vmem_shared>> -> memref<632x16xf32, #tpu.memory_space<vmem_shared>>
    tpu.enqueue_dma source(%arg6 : memref<632x16xf32, #tpu.memory_space<hbm>>) target(%dma_start3A_11 : memref<632x16xf32, #tpu.memory_space<vmem_shared>>) target_semaphore(%arg16 : memref<!tpu.dma_semaphore, #tpu.memory_space<semaphore_mem>>)
    %dma_start3A_12 = arith.constant 0 : i32
    %dma_start3A_13 = tpu.memref_slice %arg3[%arg0, %mul3A_8, %dma_start3A_12] : memref<2x2560x128xi32, #tpu.memory_space<hbm>> -> memref<1x160x128xi32, #tpu.memory_space<hbm>>
    %dma_start3A_14 = tpu.memref_squeeze %dma_start3A_13 : memref<1x160x128xi32, #tpu.memory_space<hbm>> -> memref<160x128xi32, #tpu.memory_space<hbm>>
    %dma_start3A_15 = arith.constant 0 : i32
    %dma_start3A_16 = tpu.memref_slice %arg3[%arg0, %mul3A_8, %dma_start3A_15] : memref<2x2560x128xi32, #tpu.memory_space<hbm>> -> memref<1x160x128xi32, #tpu.memory_space<hbm>>
    %dma_start3A_17 = tpu.memref_squeeze %dma_start3A_16 : memref<1x160x128xi32, #tpu.memory_space<hbm>> -> memref<160x128xi32, #tpu.memory_space<hbm>>
    tpu.enqueue_dma source(%dma_start3A_17 : memref<160x128xi32, #tpu.memory_space<hbm>>) target(%arg9 : memref<160x128xi32, #tpu.memory_space<vmem>>) target_semaphore(%arg15 : memref<!tpu.dma_semaphore, #tpu.memory_space<semaphore_mem>>)
    %dma_start3A_18 = arith.constant 0 : i32
    %dma_start3A_19 = tpu.memref_slice %arg4[%mul3A_8, %dma_start3A_18] : memref<2560x128xi32, #tpu.memory_space<hbm>> -> memref<160x128xi32, #tpu.memory_space<hbm>>
    %dma_start3A_20 = arith.constant 0 : i32
    %dma_start3A_21 = tpu.memref_slice %arg4[%mul3A_8, %dma_start3A_20] : memref<2560x128xi32, #tpu.memory_space<hbm>> -> memref<160x128xi32, #tpu.memory_space<hbm>>
    tpu.enqueue_dma source(%dma_start3A_21 : memref<160x128xi32, #tpu.memory_space<hbm>>) target(%arg10 : memref<160x128xi32, #tpu.memory_space<vmem>>) target_semaphore(%arg15 : memref<!tpu.dma_semaphore, #tpu.memory_space<semaphore_mem>>)
    %dma_wait3A = arith.constant 0 : i32
    %dma_wait3A_22 = tpu.memref_slice %arg13[%mul3A_6, %dma_wait3A] : memref<10112x64xf32, #tpu.memory_space<vmem_shared>> -> memref<632x64xf32, #tpu.memory_space<vmem_shared>>
    tpu.wait_dma2 semaphore(%arg16 : memref<!tpu.dma_semaphore, #tpu.memory_space<semaphore_mem>>) src(%arg5 : memref<632x64xf32, #tpu.memory_space<hbm>>) dst(%dma_wait3A_22 : memref<632x64xf32, #tpu.memory_space<vmem_shared>>)
    %dma_wait3A_23 = arith.constant 0 : i32
    %dma_wait3A_24 = tpu.memref_slice %arg14[%mul3A_6, %dma_wait3A_23] : memref<10112x16xf32, #tpu.memory_space<vmem_shared>> -> memref<632x16xf32, #tpu.memory_space<vmem_shared>>
    tpu.wait_dma2 semaphore(%arg16 : memref<!tpu.dma_semaphore, #tpu.memory_space<semaphore_mem>>) src(%arg6 : memref<632x16xf32, #tpu.memory_space<hbm>>) dst(%dma_wait3A_24 : memref<632x16xf32, #tpu.memory_space<vmem_shared>>)
    %dma_wait3A_25 = arith.constant 0 : i32
    %dma_wait3A_26 = tpu.memref_slice %arg3[%arg0, %mul3A_8, %dma_wait3A_25] : memref<2x2560x128xi32, #tpu.memory_space<hbm>> -> memref<1x160x128xi32, #tpu.memory_space<hbm>>
    %dma_wait3A_27 = tpu.memref_squeeze %dma_wait3A_26 : memref<1x160x128xi32, #tpu.memory_space<hbm>> -> memref<160x128xi32, #tpu.memory_space<hbm>>
    %dma_wait3A_28 = arith.constant 0 : i32
    %dma_wait3A_29 = tpu.memref_slice %arg3[%arg0, %mul3A_8, %dma_wait3A_28] : memref<2x2560x128xi32, #tpu.memory_space<hbm>> -> memref<1x160x128xi32, #tpu.memory_space<hbm>>
    %dma_wait3A_30 = tpu.memref_squeeze %dma_wait3A_29 : memref<1x160x128xi32, #tpu.memory_space<hbm>> -> memref<160x128xi32, #tpu.memory_space<hbm>>
    tpu.wait_dma2 semaphore(%arg15 : memref<!tpu.dma_semaphore, #tpu.memory_space<semaphore_mem>>) src(%dma_wait3A_30 : memref<160x128xi32, #tpu.memory_space<hbm>>) dst(%arg9 : memref<160x128xi32, #tpu.memory_space<vmem>>)
    %dma_wait3A_31 = arith.constant 0 : i32
    %dma_wait3A_32 = tpu.memref_slice %arg4[%mul3A_8, %dma_wait3A_31] : memref<2560x128xi32, #tpu.memory_space<hbm>> -> memref<160x128xi32, #tpu.memory_space<hbm>>
    %dma_wait3A_33 = arith.constant 0 : i32
    %dma_wait3A_34 = tpu.memref_slice %arg4[%mul3A_8, %dma_wait3A_33] : memref<2560x128xi32, #tpu.memory_space<hbm>> -> memref<160x128xi32, #tpu.memory_space<hbm>>
    tpu.wait_dma2 semaphore(%arg15 : memref<!tpu.dma_semaphore, #tpu.memory_space<semaphore_mem>>) src(%dma_wait3A_34 : memref<160x128xi32, #tpu.memory_space<hbm>>) dst(%arg10 : memref<160x128xi32, #tpu.memory_space<vmem>>)
    %barrier3A = arith.constant 0 : index
    tpu.barrier barrier_id(%barrier3A)
    %dma_start3A_35 = arith.constant 0 : i32
    %dma_start3A_36 = arith.constant 0 : i32
    %dma_start3A_37 = arith.constant 0 : i32
    %dma_start3A_38 = arith.constant 0 : i32
    %dma_start3A_39 = tpu.memref_slice %arg11[%dma_start3A_36, %dma_start3A_37, %dma_start3A_38] : memref<4x128x64xf32, #tpu.memory_space<vmem>> -> memref<1x128x64xf32, #tpu.memory_space<vmem>>
    %dma_start3A_40 = tpu.memref_squeeze %dma_start3A_39 : memref<1x128x64xf32, #tpu.memory_space<vmem>> -> memref<128x64xf32, #tpu.memory_space<vmem>>
    %dma_start3A_41 = arith.constant 0 : i32
    %dma_start3A_42 = tpu.memref_slice %arg9[%dma_start3A_35, %dma_start3A_41] : memref<160x128xi32, #tpu.memory_space<vmem>> -> memref<1x128xi32, #tpu.memory_space<vmem>>
    %dma_start3A_43 = tpu.memref_squeeze %dma_start3A_42 : memref<1x128xi32, #tpu.memory_space<vmem>> -> memref<128xi32, #tpu.memory_space<vmem>>
    %dma_start3A_44 = arith.constant 0 : i32
    %dma_start3A_45 = arith.constant 0 : i32
    %dma_start3A_46 = tpu.memref_slice %arg2[%dma_start3A_44, %dma_start3A_45] : memref<20000x64xf32, #tpu.memory_space<hbm>> -> memref<20000x64xf32, #tpu.memory_space<hbm>>
    tpu.enqueue_indirect_dma source(%dma_start3A_46 : memref<20000x64xf32, #tpu.memory_space<hbm>>) target(%dma_start3A_40 : memref<128x64xf32, #tpu.memory_space<vmem>>) offsets(%dma_start3A_43 : memref<128xi32, #tpu.memory_space<vmem>>) semaphore(%arg15 : memref<!tpu.dma_semaphore, #tpu.memory_space<semaphore_mem>>)
    %dma_start3A_47 = arith.constant 1 : i32
    %dma_start3A_48 = arith.constant 1 : i32
    %dma_start3A_49 = arith.constant 0 : i32
    %dma_start3A_50 = arith.constant 0 : i32
    %dma_start3A_51 = tpu.memref_slice %arg11[%dma_start3A_48, %dma_start3A_49, %dma_start3A_50] : memref<4x128x64xf32, #tpu.memory_space<vmem>> -> memref<1x128x64xf32, #tpu.memory_space<vmem>>
    %dma_start3A_52 = tpu.memref_squeeze %dma_start3A_51 : memref<1x128x64xf32, #tpu.memory_space<vmem>> -> memref<128x64xf32, #tpu.memory_space<vmem>>
    %dma_start3A_53 = arith.constant 0 : i32
    %dma_start3A_54 = tpu.memref_slice %arg9[%dma_start3A_47, %dma_start3A_53] : memref<160x128xi32, #tpu.memory_space<vmem>> -> memref<1x128xi32, #tpu.memory_space<vmem>>
    %dma_start3A_55 = tpu.memref_squeeze %dma_start3A_54 : memref<1x128xi32, #tpu.memory_space<vmem>> -> memref<128xi32, #tpu.memory_space<vmem>>
    %dma_start3A_56 = arith.constant 0 : i32
    %dma_start3A_57 = arith.constant 0 : i32
    %dma_start3A_58 = tpu.memref_slice %arg2[%dma_start3A_56, %dma_start3A_57] : memref<20000x64xf32, #tpu.memory_space<hbm>> -> memref<20000x64xf32, #tpu.memory_space<hbm>>
    tpu.enqueue_indirect_dma source(%dma_start3A_58 : memref<20000x64xf32, #tpu.memory_space<hbm>>) target(%dma_start3A_52 : memref<128x64xf32, #tpu.memory_space<vmem>>) offsets(%dma_start3A_55 : memref<128xi32, #tpu.memory_space<vmem>>) semaphore(%arg15 : memref<!tpu.dma_semaphore, #tpu.memory_space<semaphore_mem>>)
    %scan3A_59 = arith.constant 0 : i32
    %scan3A_60 = arith.constant 0 : i32
    %scan3A_61 = arith.constant 40 : i32
    %scan3A_62 = arith.addi %scan3A_60, %scan3A_61 : i32
    %scan3A_63 = arith.constant 1 : i32
    %scan3A_64 = scf.for %scan3A_102 = %scan3A_60 to %scan3A_62 step %scan3A_63 iter_args(%scan3A_103 = %scan3A_59) -> (i32)  : i32 {
      %mul3A_104 = arith.constant 4 : i32
      %mul3A_105 = arith.muli %scan3A_102, %mul3A_104 : i32
      %add3A = arith.constant 0 : i32
      %add3A_106 = arith.addi %mul3A_105, %add3A : i32
      %dma_wait3A_107 = arith.constant 0 : i32
      %dma_wait3A_108 = arith.constant 0 : i32
      %dma_wait3A_109 = arith.constant 0 : i32
      %dma_wait3A_110 = tpu.memref_slice %arg11[%dma_wait3A_107, %dma_wait3A_108, %dma_wait3A_109] : memref<4x128x64xf32, #tpu.memory_space<vmem>> -> memref<1x128x64xf32, #tpu.memory_space<vmem>>
      %dma_wait3A_111 = tpu.memref_squeeze %dma_wait3A_110 : memref<1x128x64xf32, #tpu.memory_space<vmem>> -> memref<128x64xf32, #tpu.memory_space<vmem>>
      %dma_wait3A_112 = arith.constant 0 : i32
      %dma_wait3A_113 = tpu.memref_slice %arg9[%add3A_106, %dma_wait3A_112] : memref<160x128xi32, #tpu.memory_space<vmem>> -> memref<1x128xi32, #tpu.memory_space<vmem>>
      %dma_wait3A_114 = tpu.memref_squeeze %dma_wait3A_113 : memref<1x128xi32, #tpu.memory_space<vmem>> -> memref<128xi32, #tpu.memory_space<vmem>>
      %dma_wait3A_115 = arith.constant 0 : i32
      %dma_wait3A_116 = arith.constant 0 : i32
      %dma_wait3A_117 = tpu.memref_slice %arg2[%dma_wait3A_115, %dma_wait3A_116] : memref<20000x64xf32, #tpu.memory_space<hbm>> -> memref<20000x64xf32, #tpu.memory_space<hbm>>
      tpu.wait_indirect_dma semaphore(%arg15 : memref<!tpu.dma_semaphore, #tpu.memory_space<semaphore_mem>>) src(%dma_wait3A_117 : memref<20000x64xf32, #tpu.memory_space<hbm>>) dst(%dma_wait3A_111 : memref<128x64xf32, #tpu.memory_space<vmem>>)
      %dma_start3A_118 = arith.constant 0 : i32
      %dma_start3A_119 = arith.constant 0 : i32
      %dma_start3A_120 = arith.constant 0 : i32
      %dma_start3A_121 = tpu.memref_slice %arg11[%dma_start3A_118, %dma_start3A_119, %dma_start3A_120] : memref<4x128x64xf32, #tpu.memory_space<vmem>> -> memref<1x128x64xf32, #tpu.memory_space<vmem>>
      %dma_start3A_122 = tpu.memref_squeeze %dma_start3A_121 : memref<1x128x64xf32, #tpu.memory_space<vmem>> -> memref<128x64xf32, #tpu.memory_space<vmem>>
      %dma_start3A_123 = arith.constant 0 : i32
      %dma_start3A_124 = tpu.memref_slice %arg10[%add3A_106, %dma_start3A_123] : memref<160x128xi32, #tpu.memory_space<vmem>> -> memref<1x128xi32, #tpu.memory_space<vmem>>
      %dma_start3A_125 = tpu.memref_squeeze %dma_start3A_124 : memref<1x128xi32, #tpu.memory_space<vmem>> -> memref<128xi32, #tpu.memory_space<vmem>>
      %dma_start3A_126 = arith.constant 0 : i32
      %dma_start3A_127 = arith.constant 0 : i32
      %dma_start3A_128 = tpu.memref_slice %arg13[%dma_start3A_126, %dma_start3A_127] : memref<10112x64xf32, #tpu.memory_space<vmem_shared>> -> memref<10112x64xf32, #tpu.memory_space<vmem_shared>>
      tpu.enqueue_indirect_dma source(%dma_start3A_122 : memref<128x64xf32, #tpu.memory_space<vmem>>) target(%dma_start3A_128 : memref<10112x64xf32, #tpu.memory_space<vmem_shared>>) offsets(%dma_start3A_125 : memref<128xi32, #tpu.memory_space<vmem>>) semaphore(%arg16 : memref<!tpu.dma_semaphore, #tpu.memory_space<semaphore_mem>>) {add = true}
      %eq3A_129 = arith.constant 0 : i32
      %eq3A_130 = arith.cmpi eq, %arg0, %eq3A_129 : i32
      %lt3A = arith.constant 80 : i32
      %lt3A_131 = arith.cmpi slt, %add3A_106, %lt3A : i32
      %ge3A = arith.constant 80 : i32
      %ge3A_132 = arith.cmpi sge, %add3A_106, %ge3A : i32
      %select_n3A_133 = arith.select %eq3A_130, %lt3A_131, %ge3A_132 : i1
      %convert_element_type3A_134 = arith.extui %select_n3A_133 : i1 to i32
      %cond3A_135 = arith.constant 0 : i32
      %cond3A_136 = arith.cmpi ne, %convert_element_type3A_134, %cond3A_135 : i32
      scf.if %cond3A_136 {
        %dma_start3A_352 = arith.constant 0 : i32
        %dma_start3A_353 = tpu.memref_slice %arg10[%add3A_106, %dma_start3A_352] : memref<160x128xi32, #tpu.memory_space<vmem>> -> memref<1x128xi32, #tpu.memory_space<vmem>>
        %dma_start3A_354 = tpu.memref_squeeze %dma_start3A_353 : memref<1x128xi32, #tpu.memory_space<vmem>> -> memref<128xi32, #tpu.memory_space<vmem>>
        %dma_start3A_355 = arith.constant 0 : i32
        %dma_start3A_356 = arith.constant 0 : i32
        %dma_start3A_357 = tpu.memref_slice %arg14[%dma_start3A_355, %dma_start3A_356] : memref<10112x16xf32, #tpu.memory_space<vmem_shared>> -> memref<10112x16xf32, #tpu.memory_space<vmem_shared>>
        tpu.enqueue_indirect_dma source(%arg12 : memref<128x16xf32, #tpu.memory_space<vmem>>) target(%dma_start3A_357 : memref<10112x16xf32, #tpu.memory_space<vmem_shared>>) offsets(%dma_start3A_354 : memref<128xi32, #tpu.memory_space<vmem>>) semaphore(%arg16 : memref<!tpu.dma_semaphore, #tpu.memory_space<semaphore_mem>>) {add = true}
      } else {
      }
      %sub3A = arith.constant 2 : i32
      %sub3A_137 = arith.subi %add3A_106, %sub3A : i32
      %ge3A_138 = arith.constant 0 : i32
      %ge3A_139 = arith.cmpi sge, %sub3A_137, %ge3A_138 : i32
      %convert_element_type3A_140 = arith.extui %ge3A_139 : i1 to i32
      %cond3A_141 = arith.constant 0 : i32
      %cond3A_142 = arith.cmpi ne, %convert_element_type3A_140, %cond3A_141 : i32
      scf.if %cond3A_142 {
        %dma_wait3A_352 = arith.constant 2 : i32
        %dma_wait3A_353 = arith.constant 0 : i32
        %dma_wait3A_354 = arith.constant 0 : i32
        %dma_wait3A_355 = tpu.memref_slice %arg11[%dma_wait3A_352, %dma_wait3A_353, %dma_wait3A_354] : memref<4x128x64xf32, #tpu.memory_space<vmem>> -> memref<1x128x64xf32, #tpu.memory_space<vmem>>
        %dma_wait3A_356 = tpu.memref_squeeze %dma_wait3A_355 : memref<1x128x64xf32, #tpu.memory_space<vmem>> -> memref<128x64xf32, #tpu.memory_space<vmem>>
        %dma_wait3A_357 = arith.constant 0 : i32
        %dma_wait3A_358 = tpu.memref_slice %arg10[%sub3A_137, %dma_wait3A_357] : memref<160x128xi32, #tpu.memory_space<vmem>> -> memref<1x128xi32, #tpu.memory_space<vmem>>
        %dma_wait3A_359 = tpu.memref_squeeze %dma_wait3A_358 : memref<1x128xi32, #tpu.memory_space<vmem>> -> memref<128xi32, #tpu.memory_space<vmem>>
        %dma_wait3A_360 = arith.constant 0 : i32
        %dma_wait3A_361 = arith.constant 0 : i32
        %dma_wait3A_362 = tpu.memref_slice %arg13[%dma_wait3A_360, %dma_wait3A_361] : memref<10112x64xf32, #tpu.memory_space<vmem_shared>> -> memref<10112x64xf32, #tpu.memory_space<vmem_shared>>
        tpu.wait_indirect_dma semaphore(%arg16 : memref<!tpu.dma_semaphore, #tpu.memory_space<semaphore_mem>>) src(%dma_wait3A_356 : memref<128x64xf32, #tpu.memory_space<vmem>>) dst(%dma_wait3A_362 : memref<10112x64xf32, #tpu.memory_space<vmem_shared>>)
      } else {
      }
      %ge3A_143 = arith.constant 0 : i32
      %ge3A_144 = arith.cmpi sge, %sub3A_137, %ge3A_143 : i32
      %eq3A_145 = arith.constant 0 : i32
      %eq3A_146 = arith.cmpi eq, %arg0, %eq3A_145 : i32
      %lt3A_147 = arith.constant 80 : i32
      %lt3A_148 = arith.cmpi slt, %sub3A_137, %lt3A_147 : i32
      %ge3A_149 = arith.constant 80 : i32
      %ge3A_150 = arith.cmpi sge, %sub3A_137, %ge3A_149 : i32
      %select_n3A_151 = arith.select %eq3A_146, %lt3A_148, %ge3A_150 : i1
      %and3A = arith.andi %ge3A_144, %select_n3A_151 : i1
      %convert_element_type3A_152 = arith.extui %and3A : i1 to i32
      %cond3A_153 = arith.constant 0 : i32
      %cond3A_154 = arith.cmpi ne, %convert_element_type3A_152, %cond3A_153 : i32
      scf.if %cond3A_154 {
        %dma_wait3A_352 = arith.constant 0 : i32
        %dma_wait3A_353 = tpu.memref_slice %arg10[%sub3A_137, %dma_wait3A_352] : memref<160x128xi32, #tpu.memory_space<vmem>> -> memref<1x128xi32, #tpu.memory_space<vmem>>
        %dma_wait3A_354 = tpu.memref_squeeze %dma_wait3A_353 : memref<1x128xi32, #tpu.memory_space<vmem>> -> memref<128xi32, #tpu.memory_space<vmem>>
        %dma_wait3A_355 = arith.constant 0 : i32
        %dma_wait3A_356 = arith.constant 0 : i32
        %dma_wait3A_357 = tpu.memref_slice %arg14[%dma_wait3A_355, %dma_wait3A_356] : memref<10112x16xf32, #tpu.memory_space<vmem_shared>> -> memref<10112x16xf32, #tpu.memory_space<vmem_shared>>
        tpu.wait_indirect_dma semaphore(%arg16 : memref<!tpu.dma_semaphore, #tpu.memory_space<semaphore_mem>>) src(%arg12 : memref<128x16xf32, #tpu.memory_space<vmem>>) dst(%dma_wait3A_357 : memref<10112x16xf32, #tpu.memory_space<vmem_shared>>)
      } else {
      }
      %add3A_155 = arith.constant 2 : i32
      %add3A_156 = arith.addi %add3A_106, %add3A_155 : i32
      %lt3A_157 = arith.constant 160 : i32
      %lt3A_158 = arith.cmpi slt, %add3A_156, %lt3A_157 : i32
      %convert_element_type3A_159 = arith.extui %lt3A_158 : i1 to i32
      %cond3A_160 = arith.constant 0 : i32
      %cond3A_161 = arith.cmpi ne, %convert_element_type3A_159, %cond3A_160 : i32
      scf.if %cond3A_161 {
        %dma_start3A_352 = arith.constant 2 : i32
        %dma_start3A_353 = arith.constant 0 : i32
        %dma_start3A_354 = arith.constant 0 : i32
        %dma_start3A_355 = tpu.memref_slice %arg11[%dma_start3A_352, %dma_start3A_353, %dma_start3A_354] : memref<4x128x64xf32, #tpu.memory_space<vmem>> -> memref<1x128x64xf32, #tpu.memory_space<vmem>>
        %dma_start3A_356 = tpu.memref_squeeze %dma_start3A_355 : memref<1x128x64xf32, #tpu.memory_space<vmem>> -> memref<128x64xf32, #tpu.memory_space<vmem>>
        %dma_start3A_357 = arith.constant 0 : i32
        %dma_start3A_358 = tpu.memref_slice %arg9[%add3A_156, %dma_start3A_357] : memref<160x128xi32, #tpu.memory_space<vmem>> -> memref<1x128xi32, #tpu.memory_space<vmem>>
        %dma_start3A_359 = tpu.memref_squeeze %dma_start3A_358 : memref<1x128xi32, #tpu.memory_space<vmem>> -> memref<128xi32, #tpu.memory_space<vmem>>
        %dma_start3A_360 = arith.constant 0 : i32
        %dma_start3A_361 = arith.constant 0 : i32
        %dma_start3A_362 = tpu.memref_slice %arg2[%dma_start3A_360, %dma_start3A_361] : memref<20000x64xf32, #tpu.memory_space<hbm>> -> memref<20000x64xf32, #tpu.memory_space<hbm>>
        tpu.enqueue_indirect_dma source(%dma_start3A_362 : memref<20000x64xf32, #tpu.memory_space<hbm>>) target(%dma_start3A_356 : memref<128x64xf32, #tpu.memory_space<vmem>>) offsets(%dma_start3A_359 : memref<128xi32, #tpu.memory_space<vmem>>) semaphore(%arg15 : memref<!tpu.dma_semaphore, #tpu.memory_space<semaphore_mem>>)
      } else {
      }
      %mul3A_162 = arith.constant 4 : i32
      %mul3A_163 = arith.muli %scan3A_102, %mul3A_162 : i32
      %add3A_164 = arith.constant 1 : i32
      %add3A_165 = arith.addi %mul3A_163, %add3A_164 : i32
      %dma_wait3A_166 = arith.constant 1 : i32
      %dma_wait3A_167 = arith.constant 0 : i32
      %dma_wait3A_168 = arith.constant 0 : i32
      %dma_wait3A_169 = tpu.memref_slice %arg11[%dma_wait3A_166, %dma_wait3A_167, %dma_wait3A_168] : memref<4x128x64xf32, #tpu.memory_space<vmem>> -> memref<1x128x64xf32, #tpu.memory_space<vmem>>
      %dma_wait3A_170 = tpu.memref_squeeze %dma_wait3A_169 : memref<1x128x64xf32, #tpu.memory_space<vmem>> -> memref<128x64xf32, #tpu.memory_space<vmem>>
      %dma_wait3A_171 = arith.constant 0 : i32
      %dma_wait3A_172 = tpu.memref_slice %arg9[%add3A_165, %dma_wait3A_171] : memref<160x128xi32, #tpu.memory_space<vmem>> -> memref<1x128xi32, #tpu.memory_space<vmem>>
      %dma_wait3A_173 = tpu.memref_squeeze %dma_wait3A_172 : memref<1x128xi32, #tpu.memory_space<vmem>> -> memref<128xi32, #tpu.memory_space<vmem>>
      %dma_wait3A_174 = arith.constant 0 : i32
      %dma_wait3A_175 = arith.constant 0 : i32
      %dma_wait3A_176 = tpu.memref_slice %arg2[%dma_wait3A_174, %dma_wait3A_175] : memref<20000x64xf32, #tpu.memory_space<hbm>> -> memref<20000x64xf32, #tpu.memory_space<hbm>>
      tpu.wait_indirect_dma semaphore(%arg15 : memref<!tpu.dma_semaphore, #tpu.memory_space<semaphore_mem>>) src(%dma_wait3A_176 : memref<20000x64xf32, #tpu.memory_space<hbm>>) dst(%dma_wait3A_170 : memref<128x64xf32, #tpu.memory_space<vmem>>)
      %dma_start3A_177 = arith.constant 1 : i32
      %dma_start3A_178 = arith.constant 0 : i32
      %dma_start3A_179 = arith.constant 0 : i32
      %dma_start3A_180 = tpu.memref_slice %arg11[%dma_start3A_177, %dma_start3A_178, %dma_start3A_179] : memref<4x128x64xf32, #tpu.memory_space<vmem>> -> memref<1x128x64xf32, #tpu.memory_space<vmem>>
      %dma_start3A_181 = tpu.memref_squeeze %dma_start3A_180 : memref<1x128x64xf32, #tpu.memory_space<vmem>> -> memref<128x64xf32, #tpu.memory_space<vmem>>
      %dma_start3A_182 = arith.constant 0 : i32
      %dma_start3A_183 = tpu.memref_slice %arg10[%add3A_165, %dma_start3A_182] : memref<160x128xi32, #tpu.memory_space<vmem>> -> memref<1x128xi32, #tpu.memory_space<vmem>>
      %dma_start3A_184 = tpu.memref_squeeze %dma_start3A_183 : memref<1x128xi32, #tpu.memory_space<vmem>> -> memref<128xi32, #tpu.memory_space<vmem>>
      %dma_start3A_185 = arith.constant 0 : i32
      %dma_start3A_186 = arith.constant 0 : i32
      %dma_start3A_187 = tpu.memref_slice %arg13[%dma_start3A_185, %dma_start3A_186] : memref<10112x64xf32, #tpu.memory_space<vmem_shared>> -> memref<10112x64xf32, #tpu.memory_space<vmem_shared>>
      tpu.enqueue_indirect_dma source(%dma_start3A_181 : memref<128x64xf32, #tpu.memory_space<vmem>>) target(%dma_start3A_187 : memref<10112x64xf32, #tpu.memory_space<vmem_shared>>) offsets(%dma_start3A_184 : memref<128xi32, #tpu.memory_space<vmem>>) semaphore(%arg16 : memref<!tpu.dma_semaphore, #tpu.memory_space<semaphore_mem>>) {add = true}
      %eq3A_188 = arith.constant 0 : i32
      %eq3A_189 = arith.cmpi eq, %arg0, %eq3A_188 : i32
      %lt3A_190 = arith.constant 80 : i32
      %lt3A_191 = arith.cmpi slt, %add3A_165, %lt3A_190 : i32
      %ge3A_192 = arith.constant 80 : i32
      %ge3A_193 = arith.cmpi sge, %add3A_165, %ge3A_192 : i32
      %select_n3A_194 = arith.select %eq3A_189, %lt3A_191, %ge3A_193 : i1
      %convert_element_type3A_195 = arith.extui %select_n3A_194 : i1 to i32
      %cond3A_196 = arith.constant 0 : i32
      %cond3A_197 = arith.cmpi ne, %convert_element_type3A_195, %cond3A_196 : i32
      scf.if %cond3A_197 {
        %dma_start3A_352 = arith.constant 0 : i32
        %dma_start3A_353 = tpu.memref_slice %arg10[%add3A_165, %dma_start3A_352] : memref<160x128xi32, #tpu.memory_space<vmem>> -> memref<1x128xi32, #tpu.memory_space<vmem>>
        %dma_start3A_354 = tpu.memref_squeeze %dma_start3A_353 : memref<1x128xi32, #tpu.memory_space<vmem>> -> memref<128xi32, #tpu.memory_space<vmem>>
        %dma_start3A_355 = arith.constant 0 : i32
        %dma_start3A_356 = arith.constant 0 : i32
        %dma_start3A_357 = tpu.memref_slice %arg14[%dma_start3A_355, %dma_start3A_356] : memref<10112x16xf32, #tpu.memory_space<vmem_shared>> -> memref<10112x16xf32, #tpu.memory_space<vmem_shared>>
        tpu.enqueue_indirect_dma source(%arg12 : memref<128x16xf32, #tpu.memory_space<vmem>>) target(%dma_start3A_357 : memref<10112x16xf32, #tpu.memory_space<vmem_shared>>) offsets(%dma_start3A_354 : memref<128xi32, #tpu.memory_space<vmem>>) semaphore(%arg16 : memref<!tpu.dma_semaphore, #tpu.memory_space<semaphore_mem>>) {add = true}
      } else {
      }
      %sub3A_198 = arith.constant 2 : i32
      %sub3A_199 = arith.subi %add3A_165, %sub3A_198 : i32
      %ge3A_200 = arith.constant 0 : i32
      %ge3A_201 = arith.cmpi sge, %sub3A_199, %ge3A_200 : i32
      %convert_element_type3A_202 = arith.extui %ge3A_201 : i1 to i32
      %cond3A_203 = arith.constant 0 : i32
      %cond3A_204 = arith.cmpi ne, %convert_element_type3A_202, %cond3A_203 : i32
      scf.if %cond3A_204 {
        %dma_wait3A_352 = arith.constant 3 : i32
        %dma_wait3A_353 = arith.constant 0 : i32
        %dma_wait3A_354 = arith.constant 0 : i32
        %dma_wait3A_355 = tpu.memref_slice %arg11[%dma_wait3A_352, %dma_wait3A_353, %dma_wait3A_354] : memref<4x128x64xf32, #tpu.memory_space<vmem>> -> memref<1x128x64xf32, #tpu.memory_space<vmem>>
        %dma_wait3A_356 = tpu.memref_squeeze %dma_wait3A_355 : memref<1x128x64xf32, #tpu.memory_space<vmem>> -> memref<128x64xf32, #tpu.memory_space<vmem>>
        %dma_wait3A_357 = arith.constant 0 : i32
        %dma_wait3A_358 = tpu.memref_slice %arg10[%sub3A_199, %dma_wait3A_357] : memref<160x128xi32, #tpu.memory_space<vmem>> -> memref<1x128xi32, #tpu.memory_space<vmem>>
        %dma_wait3A_359 = tpu.memref_squeeze %dma_wait3A_358 : memref<1x128xi32, #tpu.memory_space<vmem>> -> memref<128xi32, #tpu.memory_space<vmem>>
        %dma_wait3A_360 = arith.constant 0 : i32
        %dma_wait3A_361 = arith.constant 0 : i32
        %dma_wait3A_362 = tpu.memref_slice %arg13[%dma_wait3A_360, %dma_wait3A_361] : memref<10112x64xf32, #tpu.memory_space<vmem_shared>> -> memref<10112x64xf32, #tpu.memory_space<vmem_shared>>
        tpu.wait_indirect_dma semaphore(%arg16 : memref<!tpu.dma_semaphore, #tpu.memory_space<semaphore_mem>>) src(%dma_wait3A_356 : memref<128x64xf32, #tpu.memory_space<vmem>>) dst(%dma_wait3A_362 : memref<10112x64xf32, #tpu.memory_space<vmem_shared>>)
      } else {
      }
      %ge3A_205 = arith.constant 0 : i32
      %ge3A_206 = arith.cmpi sge, %sub3A_199, %ge3A_205 : i32
      %eq3A_207 = arith.constant 0 : i32
      %eq3A_208 = arith.cmpi eq, %arg0, %eq3A_207 : i32
      %lt3A_209 = arith.constant 80 : i32
      %lt3A_210 = arith.cmpi slt, %sub3A_199, %lt3A_209 : i32
      %ge3A_211 = arith.constant 80 : i32
      %ge3A_212 = arith.cmpi sge, %sub3A_199, %ge3A_211 : i32
      %select_n3A_213 = arith.select %eq3A_208, %lt3A_210, %ge3A_212 : i1
      %and3A_214 = arith.andi %ge3A_206, %select_n3A_213 : i1
      %convert_element_type3A_215 = arith.extui %and3A_214 : i1 to i32
      %cond3A_216 = arith.constant 0 : i32
      %cond3A_217 = arith.cmpi ne, %convert_element_type3A_215, %cond3A_216 : i32
      scf.if %cond3A_217 {
        %dma_wait3A_352 = arith.constant 0 : i32
        %dma_wait3A_353 = tpu.memref_slice %arg10[%sub3A_199, %dma_wait3A_352] : memref<160x128xi32, #tpu.memory_space<vmem>> -> memref<1x128xi32, #tpu.memory_space<vmem>>
        %dma_wait3A_354 = tpu.memref_squeeze %dma_wait3A_353 : memref<1x128xi32, #tpu.memory_space<vmem>> -> memref<128xi32, #tpu.memory_space<vmem>>
        %dma_wait3A_355 = arith.constant 0 : i32
        %dma_wait3A_356 = arith.constant 0 : i32
        %dma_wait3A_357 = tpu.memref_slice %arg14[%dma_wait3A_355, %dma_wait3A_356] : memref<10112x16xf32, #tpu.memory_space<vmem_shared>> -> memref<10112x16xf32, #tpu.memory_space<vmem_shared>>
        tpu.wait_indirect_dma semaphore(%arg16 : memref<!tpu.dma_semaphore, #tpu.memory_space<semaphore_mem>>) src(%arg12 : memref<128x16xf32, #tpu.memory_space<vmem>>) dst(%dma_wait3A_357 : memref<10112x16xf32, #tpu.memory_space<vmem_shared>>)
      } else {
      }
      %add3A_218 = arith.constant 2 : i32
      %add3A_219 = arith.addi %add3A_165, %add3A_218 : i32
      %lt3A_220 = arith.constant 160 : i32
      %lt3A_221 = arith.cmpi slt, %add3A_219, %lt3A_220 : i32
      %convert_element_type3A_222 = arith.extui %lt3A_221 : i1 to i32
      %cond3A_223 = arith.constant 0 : i32
      %cond3A_224 = arith.cmpi ne, %convert_element_type3A_222, %cond3A_223 : i32
      scf.if %cond3A_224 {
        %dma_start3A_352 = arith.constant 3 : i32
        %dma_start3A_353 = arith.constant 0 : i32
        %dma_start3A_354 = arith.constant 0 : i32
        %dma_start3A_355 = tpu.memref_slice %arg11[%dma_start3A_352, %dma_start3A_353, %dma_start3A_354] : memref<4x128x64xf32, #tpu.memory_space<vmem>> -> memref<1x128x64xf32, #tpu.memory_space<vmem>>
        %dma_start3A_356 = tpu.memref_squeeze %dma_start3A_355 : memref<1x128x64xf32, #tpu.memory_space<vmem>> -> memref<128x64xf32, #tpu.memory_space<vmem>>
        %dma_start3A_357 = arith.constant 0 : i32
        %dma_start3A_358 = tpu.memref_slice %arg9[%add3A_219, %dma_start3A_357] : memref<160x128xi32, #tpu.memory_space<vmem>> -> memref<1x128xi32, #tpu.memory_space<vmem>>
        %dma_start3A_359 = tpu.memref_squeeze %dma_start3A_358 : memref<1x128xi32, #tpu.memory_space<vmem>> -> memref<128xi32, #tpu.memory_space<vmem>>
        %dma_start3A_360 = arith.constant 0 : i32
        %dma_start3A_361 = arith.constant 0 : i32
        %dma_start3A_362 = tpu.memref_slice %arg2[%dma_start3A_360, %dma_start3A_361] : memref<20000x64xf32, #tpu.memory_space<hbm>> -> memref<20000x64xf32, #tpu.memory_space<hbm>>
        tpu.enqueue_indirect_dma source(%dma_start3A_362 : memref<20000x64xf32, #tpu.memory_space<hbm>>) target(%dma_start3A_356 : memref<128x64xf32, #tpu.memory_space<vmem>>) offsets(%dma_start3A_359 : memref<128xi32, #tpu.memory_space<vmem>>) semaphore(%arg15 : memref<!tpu.dma_semaphore, #tpu.memory_space<semaphore_mem>>)
      } else {
      }
      %mul3A_225 = arith.constant 4 : i32
      %mul3A_226 = arith.muli %scan3A_102, %mul3A_225 : i32
      %add3A_227 = arith.constant 2 : i32
      %add3A_228 = arith.addi %mul3A_226, %add3A_227 : i32
      %dma_wait3A_229 = arith.constant 2 : i32
      %dma_wait3A_230 = arith.constant 0 : i32
      %dma_wait3A_231 = arith.constant 0 : i32
      %dma_wait3A_232 = tpu.memref_slice %arg11[%dma_wait3A_229, %dma_wait3A_230, %dma_wait3A_231] : memref<4x128x64xf32, #tpu.memory_space<vmem>> -> memref<1x128x64xf32, #tpu.memory_space<vmem>>
      %dma_wait3A_233 = tpu.memref_squeeze %dma_wait3A_232 : memref<1x128x64xf32, #tpu.memory_space<vmem>> -> memref<128x64xf32, #tpu.memory_space<vmem>>
      %dma_wait3A_234 = arith.constant 0 : i32
      %dma_wait3A_235 = tpu.memref_slice %arg9[%add3A_228, %dma_wait3A_234] : memref<160x128xi32, #tpu.memory_space<vmem>> -> memref<1x128xi32, #tpu.memory_space<vmem>>
      %dma_wait3A_236 = tpu.memref_squeeze %dma_wait3A_235 : memref<1x128xi32, #tpu.memory_space<vmem>> -> memref<128xi32, #tpu.memory_space<vmem>>
      %dma_wait3A_237 = arith.constant 0 : i32
      %dma_wait3A_238 = arith.constant 0 : i32
      %dma_wait3A_239 = tpu.memref_slice %arg2[%dma_wait3A_237, %dma_wait3A_238] : memref<20000x64xf32, #tpu.memory_space<hbm>> -> memref<20000x64xf32, #tpu.memory_space<hbm>>
      tpu.wait_indirect_dma semaphore(%arg15 : memref<!tpu.dma_semaphore, #tpu.memory_space<semaphore_mem>>) src(%dma_wait3A_239 : memref<20000x64xf32, #tpu.memory_space<hbm>>) dst(%dma_wait3A_233 : memref<128x64xf32, #tpu.memory_space<vmem>>)
      %dma_start3A_240 = arith.constant 2 : i32
      %dma_start3A_241 = arith.constant 0 : i32
      %dma_start3A_242 = arith.constant 0 : i32
      %dma_start3A_243 = tpu.memref_slice %arg11[%dma_start3A_240, %dma_start3A_241, %dma_start3A_242] : memref<4x128x64xf32, #tpu.memory_space<vmem>> -> memref<1x128x64xf32, #tpu.memory_space<vmem>>
      %dma_start3A_244 = tpu.memref_squeeze %dma_start3A_243 : memref<1x128x64xf32, #tpu.memory_space<vmem>> -> memref<128x64xf32, #tpu.memory_space<vmem>>
      %dma_start3A_245 = arith.constant 0 : i32
      %dma_start3A_246 = tpu.memref_slice %arg10[%add3A_228, %dma_start3A_245] : memref<160x128xi32, #tpu.memory_space<vmem>> -> memref<1x128xi32, #tpu.memory_space<vmem>>
      %dma_start3A_247 = tpu.memref_squeeze %dma_start3A_246 : memref<1x128xi32, #tpu.memory_space<vmem>> -> memref<128xi32, #tpu.memory_space<vmem>>
      %dma_start3A_248 = arith.constant 0 : i32
      %dma_start3A_249 = arith.constant 0 : i32
      %dma_start3A_250 = tpu.memref_slice %arg13[%dma_start3A_248, %dma_start3A_249] : memref<10112x64xf32, #tpu.memory_space<vmem_shared>> -> memref<10112x64xf32, #tpu.memory_space<vmem_shared>>
      tpu.enqueue_indirect_dma source(%dma_start3A_244 : memref<128x64xf32, #tpu.memory_space<vmem>>) target(%dma_start3A_250 : memref<10112x64xf32, #tpu.memory_space<vmem_shared>>) offsets(%dma_start3A_247 : memref<128xi32, #tpu.memory_space<vmem>>) semaphore(%arg16 : memref<!tpu.dma_semaphore, #tpu.memory_space<semaphore_mem>>) {add = true}
      %eq3A_251 = arith.constant 0 : i32
      %eq3A_252 = arith.cmpi eq, %arg0, %eq3A_251 : i32
      %lt3A_253 = arith.constant 80 : i32
      %lt3A_254 = arith.cmpi slt, %add3A_228, %lt3A_253 : i32
      %ge3A_255 = arith.constant 80 : i32
      %ge3A_256 = arith.cmpi sge, %add3A_228, %ge3A_255 : i32
      %select_n3A_257 = arith.select %eq3A_252, %lt3A_254, %ge3A_256 : i1
      %convert_element_type3A_258 = arith.extui %select_n3A_257 : i1 to i32
      %cond3A_259 = arith.constant 0 : i32
      %cond3A_260 = arith.cmpi ne, %convert_element_type3A_258, %cond3A_259 : i32
      scf.if %cond3A_260 {
        %dma_start3A_352 = arith.constant 0 : i32
        %dma_start3A_353 = tpu.memref_slice %arg10[%add3A_228, %dma_start3A_352] : memref<160x128xi32, #tpu.memory_space<vmem>> -> memref<1x128xi32, #tpu.memory_space<vmem>>
        %dma_start3A_354 = tpu.memref_squeeze %dma_start3A_353 : memref<1x128xi32, #tpu.memory_space<vmem>> -> memref<128xi32, #tpu.memory_space<vmem>>
        %dma_start3A_355 = arith.constant 0 : i32
        %dma_start3A_356 = arith.constant 0 : i32
        %dma_start3A_357 = tpu.memref_slice %arg14[%dma_start3A_355, %dma_start3A_356] : memref<10112x16xf32, #tpu.memory_space<vmem_shared>> -> memref<10112x16xf32, #tpu.memory_space<vmem_shared>>
        tpu.enqueue_indirect_dma source(%arg12 : memref<128x16xf32, #tpu.memory_space<vmem>>) target(%dma_start3A_357 : memref<10112x16xf32, #tpu.memory_space<vmem_shared>>) offsets(%dma_start3A_354 : memref<128xi32, #tpu.memory_space<vmem>>) semaphore(%arg16 : memref<!tpu.dma_semaphore, #tpu.memory_space<semaphore_mem>>) {add = true}
      } else {
      }
      %sub3A_261 = arith.constant 2 : i32
      %sub3A_262 = arith.subi %add3A_228, %sub3A_261 : i32
      %ge3A_263 = arith.constant 0 : i32
      %ge3A_264 = arith.cmpi sge, %sub3A_262, %ge3A_263 : i32
      %convert_element_type3A_265 = arith.extui %ge3A_264 : i1 to i32
      %cond3A_266 = arith.constant 0 : i32
      %cond3A_267 = arith.cmpi ne, %convert_element_type3A_265, %cond3A_266 : i32
      scf.if %cond3A_267 {
        %dma_wait3A_352 = arith.constant 0 : i32
        %dma_wait3A_353 = arith.constant 0 : i32
        %dma_wait3A_354 = arith.constant 0 : i32
        %dma_wait3A_355 = tpu.memref_slice %arg11[%dma_wait3A_352, %dma_wait3A_353, %dma_wait3A_354] : memref<4x128x64xf32, #tpu.memory_space<vmem>> -> memref<1x128x64xf32, #tpu.memory_space<vmem>>
        %dma_wait3A_356 = tpu.memref_squeeze %dma_wait3A_355 : memref<1x128x64xf32, #tpu.memory_space<vmem>> -> memref<128x64xf32, #tpu.memory_space<vmem>>
        %dma_wait3A_357 = arith.constant 0 : i32
        %dma_wait3A_358 = tpu.memref_slice %arg10[%sub3A_262, %dma_wait3A_357] : memref<160x128xi32, #tpu.memory_space<vmem>> -> memref<1x128xi32, #tpu.memory_space<vmem>>
        %dma_wait3A_359 = tpu.memref_squeeze %dma_wait3A_358 : memref<1x128xi32, #tpu.memory_space<vmem>> -> memref<128xi32, #tpu.memory_space<vmem>>
        %dma_wait3A_360 = arith.constant 0 : i32
        %dma_wait3A_361 = arith.constant 0 : i32
        %dma_wait3A_362 = tpu.memref_slice %arg13[%dma_wait3A_360, %dma_wait3A_361] : memref<10112x64xf32, #tpu.memory_space<vmem_shared>> -> memref<10112x64xf32, #tpu.memory_space<vmem_shared>>
        tpu.wait_indirect_dma semaphore(%arg16 : memref<!tpu.dma_semaphore, #tpu.memory_space<semaphore_mem>>) src(%dma_wait3A_356 : memref<128x64xf32, #tpu.memory_space<vmem>>) dst(%dma_wait3A_362 : memref<10112x64xf32, #tpu.memory_space<vmem_shared>>)
      } else {
      }
      %ge3A_268 = arith.constant 0 : i32
      %ge3A_269 = arith.cmpi sge, %sub3A_262, %ge3A_268 : i32
      %eq3A_270 = arith.constant 0 : i32
      %eq3A_271 = arith.cmpi eq, %arg0, %eq3A_270 : i32
      %lt3A_272 = arith.constant 80 : i32
      %lt3A_273 = arith.cmpi slt, %sub3A_262, %lt3A_272 : i32
      %ge3A_274 = arith.constant 80 : i32
      %ge3A_275 = arith.cmpi sge, %sub3A_262, %ge3A_274 : i32
      %select_n3A_276 = arith.select %eq3A_271, %lt3A_273, %ge3A_275 : i1
      %and3A_277 = arith.andi %ge3A_269, %select_n3A_276 : i1
      %convert_element_type3A_278 = arith.extui %and3A_277 : i1 to i32
      %cond3A_279 = arith.constant 0 : i32
      %cond3A_280 = arith.cmpi ne, %convert_element_type3A_278, %cond3A_279 : i32
      scf.if %cond3A_280 {
        %dma_wait3A_352 = arith.constant 0 : i32
        %dma_wait3A_353 = tpu.memref_slice %arg10[%sub3A_262, %dma_wait3A_352] : memref<160x128xi32, #tpu.memory_space<vmem>> -> memref<1x128xi32, #tpu.memory_space<vmem>>
        %dma_wait3A_354 = tpu.memref_squeeze %dma_wait3A_353 : memref<1x128xi32, #tpu.memory_space<vmem>> -> memref<128xi32, #tpu.memory_space<vmem>>
        %dma_wait3A_355 = arith.constant 0 : i32
        %dma_wait3A_356 = arith.constant 0 : i32
        %dma_wait3A_357 = tpu.memref_slice %arg14[%dma_wait3A_355, %dma_wait3A_356] : memref<10112x16xf32, #tpu.memory_space<vmem_shared>> -> memref<10112x16xf32, #tpu.memory_space<vmem_shared>>
        tpu.wait_indirect_dma semaphore(%arg16 : memref<!tpu.dma_semaphore, #tpu.memory_space<semaphore_mem>>) src(%arg12 : memref<128x16xf32, #tpu.memory_space<vmem>>) dst(%dma_wait3A_357 : memref<10112x16xf32, #tpu.memory_space<vmem_shared>>)
      } else {
      }
      %add3A_281 = arith.constant 2 : i32
      %add3A_282 = arith.addi %add3A_228, %add3A_281 : i32
      %lt3A_283 = arith.constant 160 : i32
      %lt3A_284 = arith.cmpi slt, %add3A_282, %lt3A_283 : i32
      %convert_element_type3A_285 = arith.extui %lt3A_284 : i1 to i32
      %cond3A_286 = arith.constant 0 : i32
      %cond3A_287 = arith.cmpi ne, %convert_element_type3A_285, %cond3A_286 : i32
      scf.if %cond3A_287 {
        %dma_start3A_352 = arith.constant 0 : i32
        %dma_start3A_353 = arith.constant 0 : i32
        %dma_start3A_354 = arith.constant 0 : i32
        %dma_start3A_355 = tpu.memref_slice %arg11[%dma_start3A_352, %dma_start3A_353, %dma_start3A_354] : memref<4x128x64xf32, #tpu.memory_space<vmem>> -> memref<1x128x64xf32, #tpu.memory_space<vmem>>
        %dma_start3A_356 = tpu.memref_squeeze %dma_start3A_355 : memref<1x128x64xf32, #tpu.memory_space<vmem>> -> memref<128x64xf32, #tpu.memory_space<vmem>>
        %dma_start3A_357 = arith.constant 0 : i32
        %dma_start3A_358 = tpu.memref_slice %arg9[%add3A_282, %dma_start3A_357] : memref<160x128xi32, #tpu.memory_space<vmem>> -> memref<1x128xi32, #tpu.memory_space<vmem>>
        %dma_start3A_359 = tpu.memref_squeeze %dma_start3A_358 : memref<1x128xi32, #tpu.memory_space<vmem>> -> memref<128xi32, #tpu.memory_space<vmem>>
        %dma_start3A_360 = arith.constant 0 : i32
        %dma_start3A_361 = arith.constant 0 : i32
        %dma_start3A_362 = tpu.memref_slice %arg2[%dma_start3A_360, %dma_start3A_361] : memref<20000x64xf32, #tpu.memory_space<hbm>> -> memref<20000x64xf32, #tpu.memory_space<hbm>>
        tpu.enqueue_indirect_dma source(%dma_start3A_362 : memref<20000x64xf32, #tpu.memory_space<hbm>>) target(%dma_start3A_356 : memref<128x64xf32, #tpu.memory_space<vmem>>) offsets(%dma_start3A_359 : memref<128xi32, #tpu.memory_space<vmem>>) semaphore(%arg15 : memref<!tpu.dma_semaphore, #tpu.memory_space<semaphore_mem>>)
      } else {
      }
      %mul3A_288 = arith.constant 4 : i32
      %mul3A_289 = arith.muli %scan3A_102, %mul3A_288 : i32
      %add3A_290 = arith.constant 3 : i32
      %add3A_291 = arith.addi %mul3A_289, %add3A_290 : i32
      %dma_wait3A_292 = arith.constant 3 : i32
      %dma_wait3A_293 = arith.constant 0 : i32
      %dma_wait3A_294 = arith.constant 0 : i32
      %dma_wait3A_295 = tpu.memref_slice %arg11[%dma_wait3A_292, %dma_wait3A_293, %dma_wait3A_294] : memref<4x128x64xf32, #tpu.memory_space<vmem>> -> memref<1x128x64xf32, #tpu.memory_space<vmem>>
      %dma_wait3A_296 = tpu.memref_squeeze %dma_wait3A_295 : memref<1x128x64xf32, #tpu.memory_space<vmem>> -> memref<128x64xf32, #tpu.memory_space<vmem>>
      %dma_wait3A_297 = arith.constant 0 : i32
      %dma_wait3A_298 = tpu.memref_slice %arg9[%add3A_291, %dma_wait3A_297] : memref<160x128xi32, #tpu.memory_space<vmem>> -> memref<1x128xi32, #tpu.memory_space<vmem>>
      %dma_wait3A_299 = tpu.memref_squeeze %dma_wait3A_298 : memref<1x128xi32, #tpu.memory_space<vmem>> -> memref<128xi32, #tpu.memory_space<vmem>>
      %dma_wait3A_300 = arith.constant 0 : i32
      %dma_wait3A_301 = arith.constant 0 : i32
      %dma_wait3A_302 = tpu.memref_slice %arg2[%dma_wait3A_300, %dma_wait3A_301] : memref<20000x64xf32, #tpu.memory_space<hbm>> -> memref<20000x64xf32, #tpu.memory_space<hbm>>
      tpu.wait_indirect_dma semaphore(%arg15 : memref<!tpu.dma_semaphore, #tpu.memory_space<semaphore_mem>>) src(%dma_wait3A_302 : memref<20000x64xf32, #tpu.memory_space<hbm>>) dst(%dma_wait3A_296 : memref<128x64xf32, #tpu.memory_space<vmem>>)
      %dma_start3A_303 = arith.constant 3 : i32
      %dma_start3A_304 = arith.constant 0 : i32
      %dma_start3A_305 = arith.constant 0 : i32
      %dma_start3A_306 = tpu.memref_slice %arg11[%dma_start3A_303, %dma_start3A_304, %dma_start3A_305] : memref<4x128x64xf32, #tpu.memory_space<vmem>> -> memref<1x128x64xf32, #tpu.memory_space<vmem>>
      %dma_start3A_307 = tpu.memref_squeeze %dma_start3A_306 : memref<1x128x64xf32, #tpu.memory_space<vmem>> -> memref<128x64xf32, #tpu.memory_space<vmem>>
      %dma_start3A_308 = arith.constant 0 : i32
      %dma_start3A_309 = tpu.memref_slice %arg10[%add3A_291, %dma_start3A_308] : memref<160x128xi32, #tpu.memory_space<vmem>> -> memref<1x128xi32, #tpu.memory_space<vmem>>
      %dma_start3A_310 = tpu.memref_squeeze %dma_start3A_309 : memref<1x128xi32, #tpu.memory_space<vmem>> -> memref<128xi32, #tpu.memory_space<vmem>>
      %dma_start3A_311 = arith.constant 0 : i32
      %dma_start3A_312 = arith.constant 0 : i32
      %dma_start3A_313 = tpu.memref_slice %arg13[%dma_start3A_311, %dma_start3A_312] : memref<10112x64xf32, #tpu.memory_space<vmem_shared>> -> memref<10112x64xf32, #tpu.memory_space<vmem_shared>>
      tpu.enqueue_indirect_dma source(%dma_start3A_307 : memref<128x64xf32, #tpu.memory_space<vmem>>) target(%dma_start3A_313 : memref<10112x64xf32, #tpu.memory_space<vmem_shared>>) offsets(%dma_start3A_310 : memref<128xi32, #tpu.memory_space<vmem>>) semaphore(%arg16 : memref<!tpu.dma_semaphore, #tpu.memory_space<semaphore_mem>>) {add = true}
      %eq3A_314 = arith.constant 0 : i32
      %eq3A_315 = arith.cmpi eq, %arg0, %eq3A_314 : i32
      %lt3A_316 = arith.constant 80 : i32
      %lt3A_317 = arith.cmpi slt, %add3A_291, %lt3A_316 : i32
      %ge3A_318 = arith.constant 80 : i32
      %ge3A_319 = arith.cmpi sge, %add3A_291, %ge3A_318 : i32
      %select_n3A_320 = arith.select %eq3A_315, %lt3A_317, %ge3A_319 : i1
      %convert_element_type3A_321 = arith.extui %select_n3A_320 : i1 to i32
      %cond3A_322 = arith.constant 0 : i32
      %cond3A_323 = arith.cmpi ne, %convert_element_type3A_321, %cond3A_322 : i32
      scf.if %cond3A_323 {
        %dma_start3A_352 = arith.constant 0 : i32
        %dma_start3A_353 = tpu.memref_slice %arg10[%add3A_291, %dma_start3A_352] : memref<160x128xi32, #tpu.memory_space<vmem>> -> memref<1x128xi32, #tpu.memory_space<vmem>>
        %dma_start3A_354 = tpu.memref_squeeze %dma_start3A_353 : memref<1x128xi32, #tpu.memory_space<vmem>> -> memref<128xi32, #tpu.memory_space<vmem>>
        %dma_start3A_355 = arith.constant 0 : i32
        %dma_start3A_356 = arith.constant 0 : i32
        %dma_start3A_357 = tpu.memref_slice %arg14[%dma_start3A_355, %dma_start3A_356] : memref<10112x16xf32, #tpu.memory_space<vmem_shared>> -> memref<10112x16xf32, #tpu.memory_space<vmem_shared>>
        tpu.enqueue_indirect_dma source(%arg12 : memref<128x16xf32, #tpu.memory_space<vmem>>) target(%dma_start3A_357 : memref<10112x16xf32, #tpu.memory_space<vmem_shared>>) offsets(%dma_start3A_354 : memref<128xi32, #tpu.memory_space<vmem>>) semaphore(%arg16 : memref<!tpu.dma_semaphore, #tpu.memory_space<semaphore_mem>>) {add = true}
      } else {
      }
      %sub3A_324 = arith.constant 2 : i32
      %sub3A_325 = arith.subi %add3A_291, %sub3A_324 : i32
      %ge3A_326 = arith.constant 0 : i32
      %ge3A_327 = arith.cmpi sge, %sub3A_325, %ge3A_326 : i32
      %convert_element_type3A_328 = arith.extui %ge3A_327 : i1 to i32
      %cond3A_329 = arith.constant 0 : i32
      %cond3A_330 = arith.cmpi ne, %convert_element_type3A_328, %cond3A_329 : i32
      scf.if %cond3A_330 {
        %dma_wait3A_352 = arith.constant 1 : i32
        %dma_wait3A_353 = arith.constant 0 : i32
        %dma_wait3A_354 = arith.constant 0 : i32
        %dma_wait3A_355 = tpu.memref_slice %arg11[%dma_wait3A_352, %dma_wait3A_353, %dma_wait3A_354] : memref<4x128x64xf32, #tpu.memory_space<vmem>> -> memref<1x128x64xf32, #tpu.memory_space<vmem>>
        %dma_wait3A_356 = tpu.memref_squeeze %dma_wait3A_355 : memref<1x128x64xf32, #tpu.memory_space<vmem>> -> memref<128x64xf32, #tpu.memory_space<vmem>>
        %dma_wait3A_357 = arith.constant 0 : i32
        %dma_wait3A_358 = tpu.memref_slice %arg10[%sub3A_325, %dma_wait3A_357] : memref<160x128xi32, #tpu.memory_space<vmem>> -> memref<1x128xi32, #tpu.memory_space<vmem>>
        %dma_wait3A_359 = tpu.memref_squeeze %dma_wait3A_358 : memref<1x128xi32, #tpu.memory_space<vmem>> -> memref<128xi32, #tpu.memory_space<vmem>>
        %dma_wait3A_360 = arith.constant 0 : i32
        %dma_wait3A_361 = arith.constant 0 : i32
        %dma_wait3A_362 = tpu.memref_slice %arg13[%dma_wait3A_360, %dma_wait3A_361] : memref<10112x64xf32, #tpu.memory_space<vmem_shared>> -> memref<10112x64xf32, #tpu.memory_space<vmem_shared>>
        tpu.wait_indirect_dma semaphore(%arg16 : memref<!tpu.dma_semaphore, #tpu.memory_space<semaphore_mem>>) src(%dma_wait3A_356 : memref<128x64xf32, #tpu.memory_space<vmem>>) dst(%dma_wait3A_362 : memref<10112x64xf32, #tpu.memory_space<vmem_shared>>)
      } else {
      }
      %ge3A_331 = arith.constant 0 : i32
      %ge3A_332 = arith.cmpi sge, %sub3A_325, %ge3A_331 : i32
      %eq3A_333 = arith.constant 0 : i32
      %eq3A_334 = arith.cmpi eq, %arg0, %eq3A_333 : i32
      %lt3A_335 = arith.constant 80 : i32
      %lt3A_336 = arith.cmpi slt, %sub3A_325, %lt3A_335 : i32
      %ge3A_337 = arith.constant 80 : i32
      %ge3A_338 = arith.cmpi sge, %sub3A_325, %ge3A_337 : i32
      %select_n3A_339 = arith.select %eq3A_334, %lt3A_336, %ge3A_338 : i1
      %and3A_340 = arith.andi %ge3A_332, %select_n3A_339 : i1
      %convert_element_type3A_341 = arith.extui %and3A_340 : i1 to i32
      %cond3A_342 = arith.constant 0 : i32
      %cond3A_343 = arith.cmpi ne, %convert_element_type3A_341, %cond3A_342 : i32
      scf.if %cond3A_343 {
        %dma_wait3A_352 = arith.constant 0 : i32
        %dma_wait3A_353 = tpu.memref_slice %arg10[%sub3A_325, %dma_wait3A_352] : memref<160x128xi32, #tpu.memory_space<vmem>> -> memref<1x128xi32, #tpu.memory_space<vmem>>
        %dma_wait3A_354 = tpu.memref_squeeze %dma_wait3A_353 : memref<1x128xi32, #tpu.memory_space<vmem>> -> memref<128xi32, #tpu.memory_space<vmem>>
        %dma_wait3A_355 = arith.constant 0 : i32
        %dma_wait3A_356 = arith.constant 0 : i32
        %dma_wait3A_357 = tpu.memref_slice %arg14[%dma_wait3A_355, %dma_wait3A_356] : memref<10112x16xf32, #tpu.memory_space<vmem_shared>> -> memref<10112x16xf32, #tpu.memory_space<vmem_shared>>
        tpu.wait_indirect_dma semaphore(%arg16 : memref<!tpu.dma_semaphore, #tpu.memory_space<semaphore_mem>>) src(%arg12 : memref<128x16xf32, #tpu.memory_space<vmem>>) dst(%dma_wait3A_357 : memref<10112x16xf32, #tpu.memory_space<vmem_shared>>)
      } else {
      }
      %add3A_344 = arith.constant 2 : i32
      %add3A_345 = arith.addi %add3A_291, %add3A_344 : i32
      %lt3A_346 = arith.constant 160 : i32
      %lt3A_347 = arith.cmpi slt, %add3A_345, %lt3A_346 : i32
      %convert_element_type3A_348 = arith.extui %lt3A_347 : i1 to i32
      %cond3A_349 = arith.constant 0 : i32
      %cond3A_350 = arith.cmpi ne, %convert_element_type3A_348, %cond3A_349 : i32
      scf.if %cond3A_350 {
        %dma_start3A_352 = arith.constant 1 : i32
        %dma_start3A_353 = arith.constant 0 : i32
        %dma_start3A_354 = arith.constant 0 : i32
        %dma_start3A_355 = tpu.memref_slice %arg11[%dma_start3A_352, %dma_start3A_353, %dma_start3A_354] : memref<4x128x64xf32, #tpu.memory_space<vmem>> -> memref<1x128x64xf32, #tpu.memory_space<vmem>>
        %dma_start3A_356 = tpu.memref_squeeze %dma_start3A_355 : memref<1x128x64xf32, #tpu.memory_space<vmem>> -> memref<128x64xf32, #tpu.memory_space<vmem>>
        %dma_start3A_357 = arith.constant 0 : i32
        %dma_start3A_358 = tpu.memref_slice %arg9[%add3A_345, %dma_start3A_357] : memref<160x128xi32, #tpu.memory_space<vmem>> -> memref<1x128xi32, #tpu.memory_space<vmem>>
        %dma_start3A_359 = tpu.memref_squeeze %dma_start3A_358 : memref<1x128xi32, #tpu.memory_space<vmem>> -> memref<128xi32, #tpu.memory_space<vmem>>
        %dma_start3A_360 = arith.constant 0 : i32
        %dma_start3A_361 = arith.constant 0 : i32
        %dma_start3A_362 = tpu.memref_slice %arg2[%dma_start3A_360, %dma_start3A_361] : memref<20000x64xf32, #tpu.memory_space<hbm>> -> memref<20000x64xf32, #tpu.memory_space<hbm>>
        tpu.enqueue_indirect_dma source(%dma_start3A_362 : memref<20000x64xf32, #tpu.memory_space<hbm>>) target(%dma_start3A_356 : memref<128x64xf32, #tpu.memory_space<vmem>>) offsets(%dma_start3A_359 : memref<128xi32, #tpu.memory_space<vmem>>) semaphore(%arg15 : memref<!tpu.dma_semaphore, #tpu.memory_space<semaphore_mem>>)
      } else {
      }
      %scan3A_351 = arith.constant 0 : i32
      scf.yield %scan3A_351 : i32
    }
    %scan3A_65 = arith.constant 40 : i32
    %dma_wait3A_66 = arith.constant 2 : i32
    %dma_wait3A_67 = arith.constant 158 : i32
    %dma_wait3A_68 = arith.constant 0 : i32
    %dma_wait3A_69 = arith.constant 0 : i32
    %dma_wait3A_70 = tpu.memref_slice %arg11[%dma_wait3A_66, %dma_wait3A_68, %dma_wait3A_69] : memref<4x128x64xf32, #tpu.memory_space<vmem>> -> memref<1x128x64xf32, #tpu.memory_space<vmem>>
    %dma_wait3A_71 = tpu.memref_squeeze %dma_wait3A_70 : memref<1x128x64xf32, #tpu.memory_space<vmem>> -> memref<128x64xf32, #tpu.memory_space<vmem>>
    %dma_wait3A_72 = arith.constant 0 : i32
    %dma_wait3A_73 = tpu.memref_slice %arg10[%dma_wait3A_67, %dma_wait3A_72] : memref<160x128xi32, #tpu.memory_space<vmem>> -> memref<1x128xi32, #tpu.memory_space<vmem>>
    %dma_wait3A_74 = tpu.memref_squeeze %dma_wait3A_73 : memref<1x128xi32, #tpu.memory_space<vmem>> -> memref<128xi32, #tpu.memory_space<vmem>>
    %dma_wait3A_75 = arith.constant 0 : i32
    %dma_wait3A_76 = arith.constant 0 : i32
    %dma_wait3A_77 = tpu.memref_slice %arg13[%dma_wait3A_75, %dma_wait3A_76] : memref<10112x64xf32, #tpu.memory_space<vmem_shared>> -> memref<10112x64xf32, #tpu.memory_space<vmem_shared>>
    tpu.wait_indirect_dma semaphore(%arg16 : memref<!tpu.dma_semaphore, #tpu.memory_space<semaphore_mem>>) src(%dma_wait3A_71 : memref<128x64xf32, #tpu.memory_space<vmem>>) dst(%dma_wait3A_77 : memref<10112x64xf32, #tpu.memory_space<vmem_shared>>)
    %eq3A = arith.constant 0 : i32
    %eq3A_78 = arith.cmpi eq, %arg0, %eq3A : i32
    %jit3A = arith.constant false
    %jit3A_79 = arith.constant true
    %select_n3A = arith.select %eq3A_78, %jit3A, %jit3A_79 : i1
    %convert_element_type3A = arith.extui %select_n3A : i1 to i32
    %cond3A = arith.constant 0 : i32
    %cond3A_80 = arith.cmpi ne, %convert_element_type3A, %cond3A : i32
    scf.if %cond3A_80 {
      %dma_wait3A_102 = arith.constant 158 : i32
      %dma_wait3A_103 = arith.constant 0 : i32
      %dma_wait3A_104 = tpu.memref_slice %arg10[%dma_wait3A_102, %dma_wait3A_103] : memref<160x128xi32, #tpu.memory_space<vmem>> -> memref<1x128xi32, #tpu.memory_space<vmem>>
      %dma_wait3A_105 = tpu.memref_squeeze %dma_wait3A_104 : memref<1x128xi32, #tpu.memory_space<vmem>> -> memref<128xi32, #tpu.memory_space<vmem>>
      %dma_wait3A_106 = arith.constant 0 : i32
      %dma_wait3A_107 = arith.constant 0 : i32
      %dma_wait3A_108 = tpu.memref_slice %arg14[%dma_wait3A_106, %dma_wait3A_107] : memref<10112x16xf32, #tpu.memory_space<vmem_shared>> -> memref<10112x16xf32, #tpu.memory_space<vmem_shared>>
      tpu.wait_indirect_dma semaphore(%arg16 : memref<!tpu.dma_semaphore, #tpu.memory_space<semaphore_mem>>) src(%arg12 : memref<128x16xf32, #tpu.memory_space<vmem>>) dst(%dma_wait3A_108 : memref<10112x16xf32, #tpu.memory_space<vmem_shared>>)
    } else {
    }
    %dma_wait3A_81 = arith.constant 3 : i32
    %dma_wait3A_82 = arith.constant 159 : i32
    %dma_wait3A_83 = arith.constant 0 : i32
    %dma_wait3A_84 = arith.constant 0 : i32
    %dma_wait3A_85 = tpu.memref_slice %arg11[%dma_wait3A_81, %dma_wait3A_83, %dma_wait3A_84] : memref<4x128x64xf32, #tpu.memory_space<vmem>> -> memref<1x128x64xf32, #tpu.memory_space<vmem>>
    %dma_wait3A_86 = tpu.memref_squeeze %dma_wait3A_85 : memref<1x128x64xf32, #tpu.memory_space<vmem>> -> memref<128x64xf32, #tpu.memory_space<vmem>>
    %dma_wait3A_87 = arith.constant 0 : i32
    %dma_wait3A_88 = tpu.memref_slice %arg10[%dma_wait3A_82, %dma_wait3A_87] : memref<160x128xi32, #tpu.memory_space<vmem>> -> memref<1x128xi32, #tpu.memory_space<vmem>>
    %dma_wait3A_89 = tpu.memref_squeeze %dma_wait3A_88 : memref<1x128xi32, #tpu.memory_space<vmem>> -> memref<128xi32, #tpu.memory_space<vmem>>
    %dma_wait3A_90 = arith.constant 0 : i32
    %dma_wait3A_91 = arith.constant 0 : i32
    %dma_wait3A_92 = tpu.memref_slice %arg13[%dma_wait3A_90, %dma_wait3A_91] : memref<10112x64xf32, #tpu.memory_space<vmem_shared>> -> memref<10112x64xf32, #tpu.memory_space<vmem_shared>>
    tpu.wait_indirect_dma semaphore(%arg16 : memref<!tpu.dma_semaphore, #tpu.memory_space<semaphore_mem>>) src(%dma_wait3A_86 : memref<128x64xf32, #tpu.memory_space<vmem>>) dst(%dma_wait3A_92 : memref<10112x64xf32, #tpu.memory_space<vmem_shared>>)
    %eq3A_93 = arith.constant 0 : i32
    %eq3A_94 = arith.cmpi eq, %arg0, %eq3A_93 : i32
    %jit3A_95 = arith.constant false
    %jit3A_96 = arith.constant true
    %select_n3A_97 = arith.select %eq3A_94, %jit3A_95, %jit3A_96 : i1
    %convert_element_type3A_98 = arith.extui %select_n3A_97 : i1 to i32
    %cond3A_99 = arith.constant 0 : i32
    %cond3A_100 = arith.cmpi ne, %convert_element_type3A_98, %cond3A_99 : i32
    scf.if %cond3A_100 {
      %dma_wait3A_102 = arith.constant 159 : i32
      %dma_wait3A_103 = arith.constant 0 : i32
      %dma_wait3A_104 = tpu.memref_slice %arg10[%dma_wait3A_102, %dma_wait3A_103] : memref<160x128xi32, #tpu.memory_space<vmem>> -> memref<1x128xi32, #tpu.memory_space<vmem>>
      %dma_wait3A_105 = tpu.memref_squeeze %dma_wait3A_104 : memref<1x128xi32, #tpu.memory_space<vmem>> -> memref<128xi32, #tpu.memory_space<vmem>>
      %dma_wait3A_106 = arith.constant 0 : i32
      %dma_wait3A_107 = arith.constant 0 : i32
      %dma_wait3A_108 = tpu.memref_slice %arg14[%dma_wait3A_106, %dma_wait3A_107] : memref<10112x16xf32, #tpu.memory_space<vmem_shared>> -> memref<10112x16xf32, #tpu.memory_space<vmem_shared>>
      tpu.wait_indirect_dma semaphore(%arg16 : memref<!tpu.dma_semaphore, #tpu.memory_space<semaphore_mem>>) src(%arg12 : memref<128x16xf32, #tpu.memory_space<vmem>>) dst(%dma_wait3A_108 : memref<10112x16xf32, #tpu.memory_space<vmem_shared>>)
    } else {
    }
    %barrier3A_101 = arith.constant 0 : index
    tpu.barrier barrier_id(%barrier3A_101)
    "tpu.region"() ({
      %run_scoped3A = tpu.sem_alloc : memref<!tpu.dma_semaphore, #tpu.memory_space<semaphore_mem>>
      %dma_start3A_102 = arith.constant 0 : i32
      %dma_start3A_103 = tpu.memref_slice %arg7[%arg0, %mul3A_6, %dma_start3A_102] : memref<2x10112x64xf32, #tpu.memory_space<hbm>> -> memref<1x632x64xf32, #tpu.memory_space<hbm>>
      %dma_start3A_104 = tpu.memref_squeeze %dma_start3A_103 : memref<1x632x64xf32, #tpu.memory_space<hbm>> -> memref<632x64xf32, #tpu.memory_space<hbm>>
      %dma_start3A_105 = arith.constant 0 : i32
      %dma_start3A_106 = tpu.memref_slice %arg13[%mul3A_6, %dma_start3A_105] : memref<10112x64xf32, #tpu.memory_space<vmem_shared>> -> memref<632x64xf32, #tpu.memory_space<vmem_shared>>
      tpu.enqueue_dma source(%dma_start3A_106 : memref<632x64xf32, #tpu.memory_space<vmem_shared>>) target(%dma_start3A_104 : memref<632x64xf32, #tpu.memory_space<hbm>>) target_semaphore(%run_scoped3A : memref<!tpu.dma_semaphore, #tpu.memory_space<semaphore_mem>>)
      %dma_wait3A_107 = arith.constant 0 : i32
      %dma_wait3A_108 = tpu.memref_slice %arg7[%arg0, %mul3A_6, %dma_wait3A_107] : memref<2x10112x64xf32, #tpu.memory_space<hbm>> -> memref<1x632x64xf32, #tpu.memory_space<hbm>>
      %dma_wait3A_109 = tpu.memref_squeeze %dma_wait3A_108 : memref<1x632x64xf32, #tpu.memory_space<hbm>> -> memref<632x64xf32, #tpu.memory_space<hbm>>
      %dma_wait3A_110 = arith.constant 0 : i32
      %dma_wait3A_111 = tpu.memref_slice %arg13[%mul3A_6, %dma_wait3A_110] : memref<10112x64xf32, #tpu.memory_space<vmem_shared>> -> memref<632x64xf32, #tpu.memory_space<vmem_shared>>
      tpu.wait_dma2 semaphore(%run_scoped3A : memref<!tpu.dma_semaphore, #tpu.memory_space<semaphore_mem>>) src(%dma_wait3A_111 : memref<632x64xf32, #tpu.memory_space<vmem_shared>>) dst(%dma_wait3A_109 : memref<632x64xf32, #tpu.memory_space<hbm>>)
      tpu.yield
    }) : () -> ()
    "tpu.region"() ({
      %run_scoped3A = tpu.sem_alloc : memref<!tpu.dma_semaphore, #tpu.memory_space<semaphore_mem>>
      %dma_start3A_102 = arith.constant 0 : i32
      %dma_start3A_103 = tpu.memref_slice %arg8[%arg0, %mul3A_6, %dma_start3A_102] : memref<2x10112x16xf32, #tpu.memory_space<hbm>> -> memref<1x632x16xf32, #tpu.memory_space<hbm>>
      %dma_start3A_104 = tpu.memref_squeeze %dma_start3A_103 : memref<1x632x16xf32, #tpu.memory_space<hbm>> -> memref<632x16xf32, #tpu.memory_space<hbm>>
      %dma_start3A_105 = arith.constant 0 : i32
      %dma_start3A_106 = tpu.memref_slice %arg14[%mul3A_6, %dma_start3A_105] : memref<10112x16xf32, #tpu.memory_space<vmem_shared>> -> memref<632x16xf32, #tpu.memory_space<vmem_shared>>
      tpu.enqueue_dma source(%dma_start3A_106 : memref<632x16xf32, #tpu.memory_space<vmem_shared>>) target(%dma_start3A_104 : memref<632x16xf32, #tpu.memory_space<hbm>>) target_semaphore(%run_scoped3A : memref<!tpu.dma_semaphore, #tpu.memory_space<semaphore_mem>>)
      %dma_wait3A_107 = arith.constant 0 : i32
      %dma_wait3A_108 = tpu.memref_slice %arg8[%arg0, %mul3A_6, %dma_wait3A_107] : memref<2x10112x16xf32, #tpu.memory_space<hbm>> -> memref<1x632x16xf32, #tpu.memory_space<hbm>>
      %dma_wait3A_109 = tpu.memref_squeeze %dma_wait3A_108 : memref<1x632x16xf32, #tpu.memory_space<hbm>> -> memref<632x16xf32, #tpu.memory_space<hbm>>
      %dma_wait3A_110 = arith.constant 0 : i32
      %dma_wait3A_111 = tpu.memref_slice %arg14[%mul3A_6, %dma_wait3A_110] : memref<10112x16xf32, #tpu.memory_space<vmem_shared>> -> memref<632x16xf32, #tpu.memory_space<vmem_shared>>
      tpu.wait_dma2 semaphore(%run_scoped3A : memref<!tpu.dma_semaphore, #tpu.memory_space<semaphore_mem>>) src(%dma_wait3A_111 : memref<632x16xf32, #tpu.memory_space<vmem_shared>>) dst(%dma_wait3A_109 : memref<632x16xf32, #tpu.memory_space<hbm>>)
      tpu.yield
    }) : () -> ()
    return
  }
}

module attributes {stable_mosaic.version = 14 : i64} {
  func.func @tc_body(%arg0: i32, %arg1: memref<1000x128xf32, #tpu.memory_space<vmem>>, %arg2: memref<2x1000x64xf32, #tpu.memory_space<vmem>>, %arg3: memref<2x1000x16xf32, #tpu.memory_space<vmem>>, %arg4: memref<128x128xf32, #tpu.memory_space<vmem>>, %arg5: memref<64x128xf32, #tpu.memory_space<vmem>>, %arg6: memref<64x128xf32, #tpu.memory_space<vmem>>, %arg7: memref<1x128xf32, #tpu.memory_space<vmem>>, %arg8: memref<1x128xf32, #tpu.memory_space<vmem>>, %arg9: memref<1000x128xf32, #tpu.memory_space<vmem>>) attributes {dimension_semantics = [#tpu.dimension_semantics<arbitrary>], iteration_bounds = array<i64: 10>, scalar_prefetch = 0 : i64, scratch_operands = 0 : i64, tpu.core_type = #tpu.core_type<tc>, window_params = [{transform_indices = @transform_0, window_bounds = array<i64: 1000, 128>}, {transform_indices = @transform_1, window_bounds = array<i64: 2, 1000, 64>}, {transform_indices = @transform_2, window_bounds = array<i64: 2, 1000, 16>}, {pipeline_mode = #tpu.pipeline_mode<synchronous>, transform_indices = @transform_3, window_bounds = array<i64: 128, 128>}, {pipeline_mode = #tpu.pipeline_mode<synchronous>, transform_indices = @transform_4, window_bounds = array<i64: 64, 128>}, {pipeline_mode = #tpu.pipeline_mode<synchronous>, transform_indices = @transform_5, window_bounds = array<i64: 64, 128>}, {pipeline_mode = #tpu.pipeline_mode<synchronous>, transform_indices = @transform_6, window_bounds = array<i64: 1, 128>}, {pipeline_mode = #tpu.pipeline_mode<synchronous>, transform_indices = @transform_7, window_bounds = array<i64: 1, 128>}, {transform_indices = @transform_8, window_bounds = array<i64: 1000, 128>}]} {
    %get3A = arith.constant 0 : index
    %get3A_0 = arith.constant 0 : index
    %get3A_1 = arith.constant 0 : index
    %get3A_2 = vector.load %arg3[%get3A, %get3A_0, %get3A_1] : memref<2x1000x16xf32, #tpu.memory_space<vmem>>, vector<1x1000x1xf32>
    %get3A_3 = vector.shape_cast %get3A_2 : vector<1x1000x1xf32> to vector<1000x1xf32>
    %get3A_4 = arith.constant 1 : index
    %get3A_5 = arith.constant 0 : index
    %get3A_6 = arith.constant 0 : index
    %get3A_7 = vector.load %arg3[%get3A_4, %get3A_5, %get3A_6] : memref<2x1000x16xf32, #tpu.memory_space<vmem>>, vector<1x1000x1xf32>
    %get3A_8 = vector.shape_cast %get3A_7 : vector<1x1000x1xf32> to vector<1000x1xf32>
    %add3A = arith.addf %get3A_3, %get3A_8 : vector<1000x1xf32>
    %get3A_9 = arith.constant 0 : index
    %get3A_10 = arith.constant 0 : index
    %get3A_11 = vector.load %arg1[%get3A_9, %get3A_10] : memref<1000x128xf32, #tpu.memory_space<vmem>>, vector<1000x128xf32>
    %get3A_12 = arith.constant 0 : index
    %get3A_13 = arith.constant 0 : index
    %get3A_14 = vector.load %arg4[%get3A_12, %get3A_13] : memref<128x128xf32, #tpu.memory_space<vmem>>, vector<128x128xf32>
    %dot_general3A = arith.constant dense<0.000000e+00> : vector<1000x128xf32>
    %dot_general3A_15 = tpu.matmul %get3A_11, %get3A_14, %dot_general3A {dimension_numbers = #tpu.dot_dimension_numbers<[1], [0], [0], [1], [0, 0, 1, 1], [], []>, transpose_lhs_hint = false} : vector<1000x128xf32>, vector<128x128xf32>, vector<1000x128xf32> -> vector<1000x128xf32>
    %get3A_16 = arith.constant 0 : index
    %get3A_17 = arith.constant 0 : index
    %get3A_18 = arith.constant 0 : index
    %get3A_19 = vector.load %arg2[%get3A_16, %get3A_17, %get3A_18] : memref<2x1000x64xf32, #tpu.memory_space<vmem>>, vector<1x1000x64xf32>
    %get3A_20 = vector.shape_cast %get3A_19 : vector<1x1000x64xf32> to vector<1000x64xf32>
    %get3A_21 = arith.constant 0 : index
    %get3A_22 = arith.constant 0 : index
    %get3A_23 = vector.load %arg5[%get3A_21, %get3A_22] : memref<64x128xf32, #tpu.memory_space<vmem>>, vector<64x128xf32>
    %dot_general3A_24 = arith.constant dense<0.000000e+00> : vector<1000x128xf32>
    %dot_general3A_25 = tpu.matmul %get3A_20, %get3A_23, %dot_general3A_24 {dimension_numbers = #tpu.dot_dimension_numbers<[1], [0], [0], [1], [0, 0, 1, 1], [], []>, transpose_lhs_hint = false} : vector<1000x64xf32>, vector<64x128xf32>, vector<1000x128xf32> -> vector<1000x128xf32>
    %add3A_26 = arith.addf %dot_general3A_15, %dot_general3A_25 : vector<1000x128xf32>
    %get3A_27 = arith.constant 1 : index
    %get3A_28 = arith.constant 0 : index
    %get3A_29 = arith.constant 0 : index
    %get3A_30 = vector.load %arg2[%get3A_27, %get3A_28, %get3A_29] : memref<2x1000x64xf32, #tpu.memory_space<vmem>>, vector<1x1000x64xf32>
    %get3A_31 = vector.shape_cast %get3A_30 : vector<1x1000x64xf32> to vector<1000x64xf32>
    %get3A_32 = arith.constant 0 : index
    %get3A_33 = arith.constant 0 : index
    %get3A_34 = vector.load %arg6[%get3A_32, %get3A_33] : memref<64x128xf32, #tpu.memory_space<vmem>>, vector<64x128xf32>
    %dot_general3A_35 = arith.constant dense<0.000000e+00> : vector<1000x128xf32>
    %dot_general3A_36 = tpu.matmul %get3A_31, %get3A_34, %dot_general3A_35 {dimension_numbers = #tpu.dot_dimension_numbers<[1], [0], [0], [1], [0, 0, 1, 1], [], []>, transpose_lhs_hint = false} : vector<1000x64xf32>, vector<64x128xf32>, vector<1000x128xf32> -> vector<1000x128xf32>
    %add3A_37 = arith.addf %add3A_26, %dot_general3A_36 : vector<1000x128xf32>
    %get3A_38 = arith.constant 0 : index
    %get3A_39 = arith.constant 0 : index
    %get3A_40 = vector.load %arg7[%get3A_38, %get3A_39] : memref<1x128xf32, #tpu.memory_space<vmem>>, vector<1x128xf32>
    %add3A_41 = vector.broadcast %get3A_40 : vector<1x128xf32> to vector<1000x128xf32>
    %add3A_42 = arith.addf %add3A_37, %add3A_41 : vector<1000x128xf32>
    %get3A_43 = arith.constant 0 : index
    %get3A_44 = arith.constant 0 : index
    %get3A_45 = vector.load %arg8[%get3A_43, %get3A_44] : memref<1x128xf32, #tpu.memory_space<vmem>>, vector<1x128xf32>
    %mul3A = vector.broadcast %add3A : vector<1000x1xf32> to vector<1000x128xf32>
    %mul3A_46 = vector.broadcast %get3A_45 : vector<1x128xf32> to vector<1000x128xf32>
    %mul3A_47 = arith.mulf %mul3A, %mul3A_46 : vector<1000x128xf32>
    %add3A_48 = arith.addf %add3A_42, %mul3A_47 : vector<1000x128xf32>
    %max3A = arith.constant 0.000000e+00 : f32
    %max3A_49 = vector.broadcast %max3A : f32 to vector<1000x128xf32>
    %max3A_50 = arith.maximumf %add3A_48, %max3A_49 : vector<1000x128xf32>
    %swap3A = arith.constant 0 : index
    %swap3A_51 = arith.constant 0 : index
    %swap3A_52 = vector.load %arg9[%swap3A, %swap3A_51] : memref<1000x128xf32, #tpu.memory_space<vmem>>, vector<1000x128xf32>
    tpu.vector_store %arg9[%swap3A, %swap3A_51], %max3A_50 {strides = array<i32>} : memref<1000x128xf32, #tpu.memory_space<vmem>>, vector<1000x128xf32>,
    return
  }
  func.func @transform_0(%arg0: i32) -> (i32, i32) {
    %c0_i32 = arith.constant 0 : i32
    %c0_i32_0 = arith.constant 0 : i32
    return %arg0, %c0_i32 : i32, i32
  }
  func.func @transform_1(%arg0: i32) -> (i32, i32, i32) {
    %c0_i32 = arith.constant 0 : i32
    %c0_i32_0 = arith.constant 0 : i32
    %c0_i32_1 = arith.constant 0 : i32
    return %c0_i32, %arg0, %c0_i32_0 : i32, i32, i32
  }
  func.func @transform_2(%arg0: i32) -> (i32, i32, i32) {
    %c0_i32 = arith.constant 0 : i32
    %c0_i32_0 = arith.constant 0 : i32
    %c0_i32_1 = arith.constant 0 : i32
    return %c0_i32, %arg0, %c0_i32_0 : i32, i32, i32
  }
  func.func @transform_3(%arg0: i32) -> (i32, i32) {
    %c0_i32 = arith.constant 0 : i32
    %c0_i32_0 = arith.constant 0 : i32
    %c0_i32_1 = arith.constant 0 : i32
    return %c0_i32, %c0_i32_0 : i32, i32
  }
  func.func @transform_4(%arg0: i32) -> (i32, i32) {
    %c0_i32 = arith.constant 0 : i32
    %c0_i32_0 = arith.constant 0 : i32
    %c0_i32_1 = arith.constant 0 : i32
    return %c0_i32, %c0_i32_0 : i32, i32
  }
  func.func @transform_5(%arg0: i32) -> (i32, i32) {
    %c0_i32 = arith.constant 0 : i32
    %c0_i32_0 = arith.constant 0 : i32
    %c0_i32_1 = arith.constant 0 : i32
    return %c0_i32, %c0_i32_0 : i32, i32
  }
  func.func @transform_6(%arg0: i32) -> (i32, i32) {
    %c0_i32 = arith.constant 0 : i32
    %c0_i32_0 = arith.constant 0 : i32
    %c0_i32_1 = arith.constant 0 : i32
    return %c0_i32, %c0_i32_0 : i32, i32
  }
  func.func @transform_7(%arg0: i32) -> (i32, i32) {
    %c0_i32 = arith.constant 0 : i32
    %c0_i32_0 = arith.constant 0 : i32
    %c0_i32_1 = arith.constant 0 : i32
    return %c0_i32, %c0_i32_0 : i32, i32
  }
  func.func @transform_8(%arg0: i32) -> (i32, i32) {
    %c0_i32 = arith.constant 0 : i32
    %c0_i32_0 = arith.constant 0 : i32
    return %arg0, %c0_i32 : i32, i32
  }
}

</mosaic_0001>

<sc_bundles>
// kernel: kernel.4.cloned.1.call-start
scs
__scs_entry_jumppad:
0x0: {  	(pc) =	sbr.rel $0x88, $3  }
0x1: {  	(tag) =	ssettag $0x0;
	lr =	simm.s32 $0x1  }
0x2: {  	[smem:$0x3F9B] =	sst lr;
	_ =	strace $0xD0000000  }
0x3: {  	_ = 	snop  }
0x4: {  	_ = 	snop  }
0x5: {  	_ = 	snop  }
0x6: {  	_ = 	snop  }
0x7: {  	_ = 	snop  }
__scs_overlays_trampoline_lowered:
0x8: {  	[smem:$0x3FAA] =	sst s0  }
0x9: {  	[smem:$0x3FAB] =	sst s1  }
0xa: {  	[smem:$0x3FAC] =	sst s2  }
0xb: {  	[smem:$0x3FAD] =	sst s3  }
0xc: {  	[smem:$0x3FAE] =	sst s4  }
0xd: {  	[smem:$0x3FAF] =	sst s5  }
0xe: {  	[smem:$0x3FB0] =	sst s6  }
0xf: {  	[smem:$0x3FB1] =	sst s7  }
0x10: {  	[smem:$0x3FB2] =	sst s8  }
0x11: {  	[smem:$0x3FB3] =	sst s9;
	s0 =	simm.s32 @!p0 $0x0  }
0x12: {  	s1 =	sld [smem:$0x3F99];
	s0 =	simm.s32 @p0 $0x1  }
0x13: {  	[smem:$0x3FB4] =	sst s0;
	s0 =	simm.s32 @!p1 $0x0  }
0x14: {  	s2 =	sld [smem:$0x3F98];
	s0 =	simm.s32 @p1 $0x1  }
0x15: {  	[smem:$0x3FB5] =	sst s0;
	s0 =	simm.s32 @!p2 $0x0  }
0x16: {  	s3 =	sld [smem:$0x3FDB];
	s0 =	simm.s32 @p2 $0x1  }
0x17: {  	s4 =	simm.s32 $0x1BF5;
	[smem:$0x3FB7] =	sst s0  }
0x18: {  	s0 =	sld [smem:$0x3F9A];
	_ =	swait.ge [sflag:s4], $0x0  }
0x19: {  	s7 =	sld [smem:$0x3F9B]  }
0x1a: {  	s8 =	sadd.s32 $0xFFFFE003, lr  }
0x1b: {  	s9 =	sadd.s32 $0xFFFFFEF7, lr;
	s5 =	simm.s32 $0xFFFFFFFF;
	p2 =	slt.u32 s8, $0xFFFFF086  }
0x1c: {  	p1 =	slt.u32 s9, $0xF7A;
	s5 =	simm.s32 @!p2 $0x0  }
0x1d: {  	s5 =	simm.s32 @p1 $0x1;
	p0 =	seq.s32 s7, s2  }
0x1e: {  	s7 =	smul.u32 @!p0 $0xF7A, s2;
	p2 =	seq.s32 @!p0 s5, $0x0  }
0x1f: {  	s9 =	smul.u32 $0xF7A, s1;
	s8 =	simm.s32 @!p0 $0x1BF5;
	p2 =	por !p2, p0  }
0x20: {  	[sflag:s8] =	ssyncset.s32 @!p0 $0xFFFFF086;
	s6 =	sadd.s32 @!p0 s3, s7;
	s7 =	simm.s32 @!p0 $0x108  }
0x21: {  	s3 =	sadd.s32 s3, s9;
	s6 =	sadd.s32 @!p0 $0x88, s6;
	s7 =	simm.s32 @p2 $0x1082  }
0x22: {  	[simem:s7], [sflag:s8] =	dma.local @!p0 [hbm:s6], $0xF7A  }
0x23: {  	s9 =	sor.u32 $0xD0000000, s2;
	s6 =	simm.s32 $0x108;
	_ =	swait.ge @!p0 [sflag:s8], $0x0  }
0x24: {  	s3 =	sadd.s32 $0x88, s3;
	s6 =	simm.s32 @!p1 $0x1082;
	[sflag:s4] =	ssyncset.s32 $0xFFFFF086  }
0x25: {  	[simem:s6], [sflag:s4] =	dma.local [hbm:s3], $0xF7A  }
0x26: {  	[smem:$0x3F9B] =	sst s1;
	(tag) =	ssettag s2;
	_ =	strace s9  }
0x27: {  	s1 =	sld [smem:$0x3FAB]  }
0x28: {  	s2 =	sld [smem:$0x3FAC]  }
0x29: {  	s4 =	sld [smem:$0x3FAE]  }
0x2a: {  	p0 =	seq.s32 s5, $0x0;
	s5 =	sld [smem:$0x3FAF]  }
0x2b: {  	s6 =	sld [smem:$0x3FB0]  }
0x2c: {  	s7 =	sld [smem:$0x3FB1]  }
0x2d: {  	s3 =	simm.s32 $0x108;
	s8 =	sld [smem:$0x3FB2]  }
0x2e: {  	s3 =	simm.s32 @!p0 $0x1082;
	s9 =	sld [smem:$0x3FB3]  }
0x2f: {  	lr =	sadd.s32 s0, s3;
	s0 =	sld [smem:$0x3FAA]  }
0x30: {  	s3 =	sld [smem:$0x3FAD]  }
0x31: {  	[smem:$0x3FB6] =	sst s10  }
0x32: {  	s10 =	sld [smem:$0x3FB4];
	_ =	sdelay $0x3  }
0x33: {  	p0 =	seq.s32 s10, $0x1;
	s10 =	sld [smem:$0x3FB6];
	_ =	sdelay $0x3  }
0x34: {  	[smem:$0x3FB6] =	sst s10  }
0x35: {  	s10 =	sld [smem:$0x3FB5];
	_ =	sdelay $0x3  }
0x36: {  	p1 =	seq.s32 s10, $0x1;
	s10 =	sld [smem:$0x3FB6];
	_ =	sdelay $0x3  }
0x37: {  	[smem:$0x3FB6] =	sst s10  }
0x38: {  	s10 =	sld [smem:$0x3FB7]  }
0x39: {  	_ = 	snop;
	(pc) =	sbr.ind lr, $3  }
0x3a: {  	_ = 	snop  }
0x3b: {  	_ = 	snop  }
0x3c: {  	p2 =	seq.s32 s10, $0x1;
	s10 =	sld [smem:$0x3FB6]  }
0x3d: {  	_ =	shalt  }
0x3e: {  	_ =	shalt  }
0x3f: {  	_ =	shalt  }
0x40: {  	_ =	shalt  }
0x41: {  	_ =	shalt  }
0x42: {  	_ =	shalt  }
0x43: {  	_ =	shalt  }
0x44: {  	_ =	shalt  }
0x45: {  	_ =	shalt  }
0x46: {  	_ =	shalt  }
0x47: {  	_ =	shalt  }
0x48: {  	_ =	shalt  }
0x49: {  	_ =	shalt  }
0x4a: {  	_ =	shalt  }
0x4b: {  	_ =	shalt  }
0x4c: {  	_ =	shalt  }
0x4d: {  	_ =	shalt  }
0x4e: {  	_ =	shalt  }
0x4f: {  	_ =	shalt  }
0x50: {  	_ =	shalt  }
0x51: {  	_ =	shalt  }
0x52: {  	_ =	shalt  }
0x53: {  	_ =	shalt  }
0x54: {  	_ =	shalt  }
0x55: {  	_ =	shalt  }
0x56: {  	_ =	shalt  }
0x57: {  	_ =	shalt  }
0x58: {  	_ =	shalt  }
0x59: {  	_ =	shalt  }
0x5a: {  	_ =	shalt  }
0x5b: {  	_ =	shalt  }
0x5c: {  	_ =	shalt  }
0x5d: {  	_ =	shalt  }
0x5e: {  	_ =	shalt  }
0x5f: {  	_ =	shalt  }
0x60: {  	_ =	shalt  }
0x61: {  	_ =	shalt  }
0x62: {  	_ =	shalt  }
0x63: {  	_ =	shalt  }
0x64: {  	_ =	shalt  }
0x65: {  	_ =	shalt  }
0x66: {  	_ =	shalt  }
0x67: {  	_ =	shalt  }
0x68: {  	_ =	shalt  }
0x69: {  	_ =	shalt  }
0x6a: {  	_ =	shalt  }
0x6b: {  	_ =	shalt  }
0x6c: {  	_ =	shalt  }
0x6d: {  	_ =	shalt  }
0x6e: {  	_ =	shalt  }
0x6f: {  	_ =	shalt  }
0x70: {  	_ =	shalt  }
0x71: {  	_ =	shalt  }
0x72: {  	_ =	shalt  }
0x73: {  	_ =	shalt  }
0x74: {  	_ =	shalt  }
0x75: {  	_ =	shalt  }
0x76: {  	_ =	shalt  }
0x77: {  	_ =	shalt  }
0x78: {  	_ =	shalt  }
0x79: {  	_ =	shalt  }
0x7a: {  	_ =	shalt  }
0x7b: {  	_ =	shalt  }
0x7c: {  	_ =	shalt  }
0x7d: {  	_ =	shalt  }
0x7e: {  	_ =	shalt  }
0x7f: {  	_ =	shalt  }
0x80: {  	_ =	shalt  }
0x81: {  	_ =	shalt  }
0x82: {  	_ =	shalt  }
0x83: {  	_ =	shalt  }
0x84: {  	_ =	shalt  }
0x85: {  	_ =	shalt  }
0x86: {  	_ =	shalt  }
0x87: {  	_ =	shalt  }
.Lfunc_end0:
.L_simem_size_0:
called_computation_lowered:
.L_overlay_start_0:
0x88: {  	s2 =	sld [smem:$0x3FD9]  }
0x89: {  	s3 =	sld [smem:$0x3FFE];
	_ =	sdelay $0x1  }
0x8a: {  	s1 =	srdreg.scid  }
0x8b: {  	s0 =	sand.u32 $0x1, s1  }
0x8c: {  	s17 =	sshll.u32 s0, $0xA;
	s2 =	sadd.s32 s3, s2  }
0x8d: {  	s2 =	sadd.s32 s2, s17  }
0x8e: {  	[smem:$0x3FC2] =	sst s2  }
0x8f: {  	_ = 	snop  }
0x90: {  	s2 =	sld [smem:$0x3FD0];
	(tm) =	ssettm $0x1  }
0x91: {  	s18 =	sld [smem:$0x3FFB];
	_ =	sdelay $0x3  }
0x92: {  	_ =	strace s18  }
0x93: {  	s3 =	sld [smem:$0x3FFC];
	_ =	sdelay $0x3  }
0x94: {  	_ =	strace s3  }
0x95: {  	s3 =	sld [smem:$0x3FFD];
	_ =	sdelay $0x3  }
0x96: {  	_ =	strace s3  }
0x97: {  	_ =	strace $0x8FFFFFFF  }
0x98: {  	s19 =	sld [smem:$0x3FDB];
	_ =	sdelay $0x1  }
0x99: {  	s4 =	simm.s32 $_scs_section_size  }
0x9a: {  	s5 =	simm.s32 $_size__tile_overlayer_lowered;
	s6 =	simm.s32 $_tile_overlayer_lowered  }
0x9b: {  	s22 =	simm.s32 $0x1BFF;
	s21 =	sshll.u32 s6, $0x1;
	s3 =	sadd.s32 s4, s19  }
0x9c: {  	s7 =	simm.s32 $0x0;
	s20 =	sshll.u32 s5, $0x1;
	s5 =	sadd.s32 s21, s3  }
0x9d: {  	[timem:s7], [sflag:s22] =	dma.local [hbm:s5], s20  }
0x9e: {  	_ =	swait.ge [sflag:s22], s20  }
0x9f: {  	s4 =	ssub.s32 $0x0, s20;
	[sflag:s22] =	ssyncset.done $0x0  }
0xa0: {  	[sflag:s22] =	ssyncadd.s32 s4;
	_ =	sdelay $0x1  }
0xa1: {  	s23 =	simm.s32 $0x1B8B  }
0xa2: {  	_ =	swait.ge [sflag:s23], $0x1  }
0xa3: {  	[sflag:s23] =	ssyncset.done $0x0  }
0xa4: {  	s25 =	simm.s32 $0x1B8E;
	s24 =	sld [smem:$0x3FFE];
	[sflag:s23] =	ssyncadd.s32 $0xFFFFFFFF  }
0xa5: {  	s26 =	simm.s32 $execute0_lowered;
	[smem:$0x3FD2] =	sst s25  }
0xa6: {  	s5 =	sshll.u32 s26, $0x1;
	_ =	strace $0x80000046;
	[dreg:$0x1] =	wrdreg $0xFFFFFFFF  }
0xa7: {  	s28 =	simm.s32 $_size_execute0_lowered;
	s3 =	sadd.s32 s3, s5;
	[dreg:$0x0] =	wrdreg $0x0  }
0xa8: {  	s5 =	sshll.u32 s28, $0x1;
	[dreg:$0x2] =	wrdreg s3  }
0xa9: {  	[dreg:$0x3] =	wrdreg s5  }
0xaa: {  	[dreg:$0x4] =	wrdreg $0xC0  }
0xab: {  	_ =	task [dreg:s7], $0x5FFFF  }
0xac: {  	[dreg:$0x1] =	wrdreg $0xFFFFFFFF  }
0xad: {  	[dreg:$0x0] =	wrdreg $0x60  }
0xae: {  	[dreg:$0x2] =	wrdreg s2  }
0xaf: {  	[dreg:$0x3] =	wrdreg s24  }
0xb0: {  	[dreg:$0x4] =	wrdreg $0x128000  }
0xb1: {  	[dreg:$0x5] =	wrdreg $0x1C6000  }
0xb2: {  	[dreg:$0x6] =	wrdreg $0x9  }
0xb3: {  	_ =	task.clear_ibuf [dreg:s7], $0x7FFFF;
	_ =	strace $0x90000046  }
0xb4: {  	s29 =	simm.s32 $0x9;
	_ =	strace $0x80000048  }
0xb5: {  	_ =	swait.ge [sflag:s29], $0x1  }
0xb6: {  	[sflag:s29] =	ssyncadd.s32 $0xFFFFFFFF  }
0xb7: {  	_ =	strace $0x90000048  }
0xb8: {  	_ =	sfence  }
0xb9: {  	s30 =	sld [smem:$0x0];
	_ =	sdelay $0x2  }
0xba: {  	s31 =	sshll.u32 s1, $0xD;
	s1 =	sshrl.u32 s1, $0x2  }
0xbb: {  	s3 =	sand.u32 $0x4000, s31;
	s1 =	sadd.s32 s1, s30  }
0xbc: {  	s0 =	sor.u32 s3, s0;
	s1 =	sshll.u32 s1, $0x11  }
0xbd: {  	s0 =	sor.u32 s1, s0  }
0xbe: {  	s0 =	sadd.s32 $0x8F2B, s0  }
0xbf: {  	[sflag:s0] =	ssyncadd.remote.s32 $0x1  }
0xc0: {  	_ =	sfence.sel $0xFFFF  }
0xc1: {  	[dreg:$0x0] =	wrdreg $0xFFFFFFFF;
	(pc) =	sbr.abs _section_cstart, $3  }
0xc2: {  	[dreg:$0x1] =	wrdreg $0xFFFFFFFF  }
0xc3: {  	_ =	task.clear_ibuf [dreg:s7], $0x2FFFF;
	_ =	strace $0x9FFFFFFF  }
0xc4: {  	(tm) =	ssettm $0x7FFFFFFF  }
0xc5: {  	_ =	shalt  }
tec
execute0_lowered:
.L_overlay_start_1:
0x0: {  	(tag) =	ssettag $0x1  }
0x1: {  	s1 =	rddreg [dreg:$0x0]  }
0x2: {  	s9 =	rddreg [dreg:$0x1];
	s2 =	srdreg.scid  }
0x3: {  	s0 =	stileid.u32;
	s3 =	rddreg [dreg:$0x2]  }
0x4: {  	s5 =	rddreg [dreg:$0x3];
	s6 =	simm.s32 $0x0;
	s7 =	smul.u32 $0x5000, s0  }
0x5: {  	s21 =	simm.s32 $0x80;
	s22 =	simm.s32 $0xA000;
	s10 =	smul.u32 $0x9E00, s0  }
0x6: {  	s23 =	simm.s32 $0xC000;
	s4 =	sand.u32 $0x1, s2;
	s12 =	smul.u32 $0x2780, s0  }
0x7: {  	s24 =	simm.s32 $0xE000;
	[smem:$0x7FF] =	sst s6;
	s8 =	smul.u32 $0x50000, s4  }
0x8: {  	s25 =	sadd.s32 $0x1F800, s9;
	s26 =	sadd.s32 $0x1F200, s9;
	s11 =	smul.u32 $0x9E000, s4  }
0x9: {  	_ =	strace $0x80000047;
	s14 =	smul.u32 $0x27800, s4;
	[dreg:$0x5] =	wrdreg s25  }
0xa: {  	[dreg:$0x6] =	wrdreg s26;
	s29 =	ssub.s32 $0x2, s4;
	p0 =	seq.s32 s4, $0x0  }
0xb: {  	s25 =	simm.s32 $0x10000;
	s26 =	simm.s32 $0x3;
	s30 =	sshrl.u32 s29, $0x1  }
0xc: {  	s19 =	sadd.s32 s10, s3;
	s20 =	sadd.s32 s12, s5;
	s8 =	sadd.s32 s7, s8  }
0xd: {  	s7 =	sshrl.u32 s7, $0x3;
	s11 =	sadd.s32 s10, s11;
	s14 =	sadd.s32 s12, s14  }
0xe: {  	s18 =	ssub.s32 s29, s30;
	s8 =	sshrl.u32 s8, $0x3;
	s15 =	sadd.s32 s7, s9  }
0xf: {  	s11 =	sshrl.u32 s11, $0x3;
	s28 =	sshrl.u32 s14, $0x3;
	s13 =	sadd.s32 s8, s9  }
.Ltmp0:
0x10: {  	s16 =	sadd.s32 s11, s9;
	s17 =	sadd.s32 s28, s9;
	(pc) =	sbr.rel .LBB2_1-.Ltmp0, $4  }
0x11: {  	s9 =	sshll.u32 s0, $0x6;
	s12 =	sadd.s32 $0x1200, s15;
	s15 =	smax.u32 s18, $0x1  }
0x12: {  	s10 =	sor.u32 $0x1C02, s9;
	s31 =	sadd.s32 $0xB200, s13;
	s13 =	sadd.s32 $0x20C00, s16  }
0x13: {  	s14 =	sadd.s32 $0x48400, s17;
	s16 =	sshrl.u32 s19, $0x3;
	s17 =	sshrl.u32 s20, $0x3  }
0x14: {  	v0 =	vimm.f32 $1.000000000e+00;
	s19 =	simm.s32 $0x2;
	s20 =	simm.s32 $0x1;
	[dreg:$0x7] =	wrdreg s31  }
.LBB2_6:
0x15: {  	_ =	swait.ge [sflag:s19], $0x2000  }
0x16: {  	[sflag:s19] =	ssyncset.done $0x0  }
0x17: {  	s0 =	simm.s32 @p0 $0x2;
	[sflag:s19] =	ssyncadd.s32 $0xFFFFE000  }
0x18: {  	_ =	swait.ge @p0 [sflag:s0], $0x2000  }
0x19: {  	[sflag:s0] =	ssyncset.done @p0 $0x0  }
0x1a: {  	[sflag:s0] =	ssyncadd.s32 @p0 $0xFFFFE000;
	s0 =	simm.s32 @!p0 $0x2  }
0x1b: {  	_ =	swait.ge @!p0 [sflag:s0], $0x800  }
0x1c: {  	[sflag:s0] =	ssyncset.done @!p0 $0x0  }
0x1d: {  	[sflag:s0] =	ssyncadd.s32 @!p0 $0xFFFFF800  }
0x1e: {  	_ =	swait.ge @!p0 [sflag:s0], $0x2000  }
0x1f: {  	[sflag:s0] =	ssyncset.done @!p0 $0x0  }
0x20: {  	[sflag:s0] =	ssyncadd.s32 @!p0 $0xFFFFE000  }
0x21: {  	_ =	swait.ge @!p0 [sflag:s0], $0x800  }
0x22: {  	[sflag:s0] =	ssyncset.done @!p0 $0x0  }
0x23: {  	[sflag:s0] =	ssyncadd.s32 @!p0 $0xFFFFF800  }
0x24: {  	s31 =	sor.u32 $0x1C03, s9;
	[bflag:$0x0] =	sbarrier.arrive $0xFFFF  }
0x25: {  	[hbm:s13], [sflag:s31] =	dma.local [spmem:s16], $0x13C0  }
0x26: {  	s6 =	sadd.s32 $0x1, s6;
	_ =	swait.ge [sflag:s26], $0x13C0  }
0x27: {  	p1 =	sne.s32 s6, s15;
	[sflag:s26] =	ssyncset.done $0x0  }
.Ltmp1:
0x28: {  	[sflag:s26] =	ssyncadd.s32 $0xFFFFEC40;
	(pc) =	sbr.rel @!p1 .LBB2_7-.Ltmp1, $4  }
0x29: {  	[hbm:s14], [sflag:s31] =	dma.local [spmem:s17], $0x4F0  }
0x2a: {  	_ =	swait.ge [sflag:s26], $0x4F0  }
0x2b: {  	[sflag:s26] =	ssyncset.done $0x0  }
0x2c: {  	[sflag:s26] =	ssyncadd.s32 $0xFFFFFB10  }
.LBB2_1:
0x2d: {  	s28 =	simm.s32 $0x40;
	s29 =	simm.s32 $0x0  }
.LBB2_2:
0x2e: {  	p1 =	sne.s32 s28, $0x1FC0;
	[tilespmem:s29+$0x12000] =	vst v0;
	s29 =	smov.u32 s28;
	s28 =	sadd.s32 $0x40, s28  }
.Ltmp2:
0x2f: {  	(pc) =	sbr.rel @p1 .LBB2_2-.Ltmp2, $2  }
0x30: {  	_ =	sdelay $0x2  }
0x31: {  	s29 =	sshra.s32 s29, $0x2  }
0x32: {  	[tilespmem:s29+$0x12000] =	vst v0;
	s0 =	rddreg [dreg:$0x5]  }
0x33: {  	[spmem:s16], [sflag:s10] =	dma.local [hbm:s0], $0x13C0  }
0x34: {  	s0 =	rddreg [dreg:$0x6]  }
0x35: {  	[spmem:s17], [sflag:s10] =	dma.local [hbm:s0], $0x4F0  }
0x36: {  	s28 =	simm.s32 $0x0;
	s0 =	rddreg [dreg:$0x7]  }
0x37: {  	[tilespmem:s28], [sflag:$0x1] =	stream.linear.gather [hbm4b:s0+s28], $0x5000, $0x38;
	[tilespmem:$0x1ED80] =	vst v63  }
0x38: {  	s31 =	simm.s32 $0x5000  }
0x39: {  	[tilespmem:s31], [sflag:$0x1] =	stream.linear.gather [hbm4b:s12+s28], $0x5000, $0x38;
	[tilespmem:$0x1ED80] =	vst v63  }
0x3a: {  	_ =	swait.ge [sflag:s19], $0x13C0  }
0x3b: {  	[sflag:s19] =	ssyncset.done $0x0  }
0x3c: {  	[sflag:s19] =	ssyncadd.s32 $0xFFFFEC40  }
0x3d: {  	_ =	swait.ge [sflag:s19], $0x4F0  }
0x3e: {  	[sflag:s19] =	ssyncset.done $0x0  }
0x3f: {  	[sflag:s19] =	ssyncadd.s32 $0xFFFFFB10  }
0x40: {  	_ =	swait.ge [sflag:s20], $0x5000  }
0x41: {  	[sflag:s20] =	ssyncset.done $0x0  }
0x42: {  	[sflag:s20] =	ssyncadd.s32 $0xFFFFB000  }
0x43: {  	_ =	swait.ge [sflag:s20], $0x5000  }
0x44: {  	[sflag:s20] =	ssyncset.done $0x0  }
0x45: {  	[sflag:s20] =	ssyncadd.s32 $0xFFFFB000  }
0x46: {  	[bflag:$0x0] =	sbarrier.arrive $0xFFFF  }
0x47: {  	[tilespmem:s22], [sflag:$0x1] =	stream.indirect.gather [hbm4b:s1+s21], $0x40, s28, s21, $0xb8;
	[tilespmem:$0x1ED80] =	vst v63  }
0x48: {  	s29 =	simm.s32 $0x0  }
0x49: {  	[tilespmem:s23], [sflag:$0x1] =	stream.indirect.gather [hbm4b:s1+s21], $0x40, s21, s21, $0xb8;
	[tilespmem:$0x1ED80] =	vst v63  }
.LBB2_4:
0x4a: {  	_ =	swait.ge [sflag:s20], $0x2000;
	s30 =	sshra.s32 s28, $0x2;
	p3 =	sgt.u32 s29, $0x13  }
0x4b: {  	s2 =	simm.s32 $0x1;
	s0 =	simm.s32 $0x1;
	p2 =	seq.s32 s28, $0x0  }
0x4c: {  	[sflag:s20] =	ssyncset.done $0x0;
	s2 =	simm.s32 @!p3 $0x0;
	s0 =	simm.s32 @!p0 $0x0  }
0x4d: {  	s31 =	sadd.s32 $0x5000, s30;
	[sflag:s20] =	ssyncadd.s32 $0xFFFFE000;
	p1 =	seq.s32 s0, s2  }
0x4e: {  	[spmem:s3] =	stream.indirect.scatter.add.f32 [tilespmem:s22], [sflag:$0x2], $0x40, s31, s21, $0xb8;
	[tilespmem:$0x1ED80] =	vst v63  }
0x4f: {  	p4 =	sgt.u32 @!p2 s29, $0x14;
	s0 =	simm.s32 @!p1 $0x80;
	s2 =	simm.s32 @!p1 $0x12000  }
0x50: {  	[spmem:s5] =	stream.indirect.scatter.add.f32 @!p1 [tilespmem:s2], [sflag:$0x2], $0x10, s31, s0, $0xb8;
	[tilespmem:$0x1ED80] =	vst v63  }
0x51: {  	p4 =	por !p4, p2;
	p1 =	seq.s32 @!p2 s4, $0x0  }
0x52: {  	s0 =	simm.s32 @!p2 $0x1;
	s2 =	simm.s32 @!p2 $0x1;
	p1 =	por !p1, p2  }
0x53: {  	s31 =	simm.s32 @!p2 $0x2;
	s2 =	simm.s32 @p4 $0x0;
	s0 =	simm.s32 @p1 $0x0  }
0x54: {  	_ =	swait.ge @!p2 [sflag:s31], $0x2000;
	p4 =	seq.s32 @!p2 s0, s2  }
0x55: {  	[sflag:s31] =	ssyncset.done @!p2 $0x0;
	p5 =	por p4, p2  }
0x56: {  	[sflag:s31] =	ssyncadd.s32 @!p2 $0xFFFFE000;
	s0 =	simm.s32 @!p5 $0x2  }
0x57: {  	_ =	swait.ge @!p5 [sflag:s0], $0x800  }
0x58: {  	[sflag:s0] =	ssyncset.done @!p5 $0x0  }
0x59: {  	s18 =	sadd.s32 $0x100, s30;
	[sflag:s0] =	ssyncadd.s32 @!p5 $0xFFFFF800  }
0x5a: {  	[tilespmem:s24], [sflag:$0x1] =	stream.indirect.gather [hbm4b:s1+s21], $0x40, s18, s21, $0xb8;
	[tilespmem:$0x1ED80] =	vst v63  }
0x5b: {  	p1 =	por !p3, !p3;
	_ =	swait.ge [sflag:s20], $0x2000  }
0x5c: {  	p1 =	por @!p0 p3, p3;
	p3 =	por @!p2 $0x0, $0x0;
	[sflag:s20] =	ssyncset.done $0x0  }
0x5d: {  	p4 =	por !p4, p2;
	s0 =	sadd.s32 $0x5080, s30;
	[sflag:s20] =	ssyncadd.s32 $0xFFFFE000  }
0x5e: {  	[spmem:s3] =	stream.indirect.scatter.add.f32 [tilespmem:s23], [sflag:$0x2], $0x40, s0, s21, $0xb8;
	[tilespmem:$0x1ED80] =	vst v63  }
0x5f: {  	s2 =	simm.s32 @p1 $0x80;
	p5 =	por @!p5 $0x1, $0x1;
	s18 =	simm.s32 @p1 $0x12000  }
0x60: {  	[spmem:s5] =	stream.indirect.scatter.add.f32 @p1 [tilespmem:s18], [sflag:$0x2], $0x10, s0, s2, $0xb8;
	[tilespmem:$0x1ED80] =	vst v63  }
0x61: {  	p5 =	por @!p4 p3, p3;
	p3 =	por $0x0, $0x0;
	_ =	swait.ge @!p2 [sflag:s31], $0x2000  }
0x62: {  	p3 =	por @!p2 p5, p5;
	[sflag:s31] =	ssyncset.done @!p2 $0x0  }
0x63: {  	s0 =	simm.s32 @p3 $0x2;
	[sflag:s31] =	ssyncadd.s32 @!p2 $0xFFFFE000  }
0x64: {  	_ =	swait.ge @p3 [sflag:s0], $0x800  }
0x65: {  	[sflag:s0] =	ssyncset.done @p3 $0x0  }
0x66: {  	s31 =	sadd.s32 $0x180, s30;
	[sflag:s0] =	ssyncadd.s32 @p3 $0xFFFFF800  }
0x67: {  	[tilespmem:s25], [sflag:$0x1] =	stream.indirect.gather [hbm4b:s1+s21], $0x40, s31, s21, $0xb8;
	[tilespmem:$0x1ED80] =	vst v63  }
0x68: {  	_ =	swait.ge [sflag:s20], $0x2000  }
0x69: {  	[sflag:s20] =	ssyncset.done $0x0  }
0x6a: {  	s0 =	sadd.s32 $0x5100, s30;
	[sflag:s20] =	ssyncadd.s32 $0xFFFFE000  }
0x6b: {  	[spmem:s3] =	stream.indirect.scatter.add.f32 [tilespmem:s24], [sflag:$0x2], $0x40, s0, s21, $0xb8;
	[tilespmem:$0x1ED80] =	vst v63  }
0x6c: {  	_ = 	snop  }
0x6d: {  	[spmem:s5] =	stream.indirect.scatter.add.f32 @p1 [tilespmem:s18], [sflag:$0x2], $0x10, s0, s2, $0xb8;
	[tilespmem:$0x1ED80] =	vst v63  }
0x6e: {  	s0 =	simm.s32 @p1 $0x2  }
0x6f: {  	_ =	swait.ge @p1 [sflag:s0], $0x2000  }
0x70: {  	[sflag:s0] =	ssyncset.done @p1 $0x0  }
0x71: {  	[sflag:s0] =	ssyncadd.s32 @p1 $0xFFFFE000  }
0x72: {  	_ =	swait.ge @p1 [sflag:s0], $0x800  }
0x73: {  	[sflag:s0] =	ssyncset.done @p1 $0x0  }
0x74: {  	s31 =	simm.s32 @!p1 $0x2;
	[sflag:s0] =	ssyncadd.s32 @p1 $0xFFFFF800  }
0x75: {  	p2 =	seq.s32 s28, $0x13800;
	_ =	swait.ge @!p1 [sflag:s31], $0x2000  }
0x76: {  	s7 =	sshra.s32 @!p2 s28, $0x2;
	s8 =	simm.s32 @!p2 $0x80;
	[sflag:s31] =	ssyncset.done @!p1 $0x0  }
0x77: {  	s11 =	simm.s32 @!p2 $0xA000;
	s7 =	sadd.s32 @!p2 $0x200, s7;
	[sflag:s31] =	ssyncadd.s32 @!p1 $0xFFFFE000  }
0x78: {  	[tilespmem:s11], [sflag:$0x1] =	stream.indirect.gather @!p2 [hbm4b:s1+s8], $0x40, s7, s8, $0xb8;
	[tilespmem:$0x1ED80] =	vst v63  }
0x79: {  	_ =	swait.ge [sflag:s20], $0x2000  }
0x7a: {  	[sflag:s20] =	ssyncset.done $0x0  }
0x7b: {  	s7 =	sadd.s32 $0x5180, s30;
	[sflag:s20] =	ssyncadd.s32 $0xFFFFE000  }
0x7c: {  	[spmem:s3] =	stream.indirect.scatter.add.f32 [tilespmem:s25], [sflag:$0x2], $0x40, s7, s21, $0xb8;
	[tilespmem:$0x1ED80] =	vst v63  }
0x7d: {  	_ = 	snop  }
0x7e: {  	[spmem:s5] =	stream.indirect.scatter.add.f32 @p1 [tilespmem:s18], [sflag:$0x2], $0x10, s7, s2, $0xb8;
	[tilespmem:$0x1ED80] =	vst v63  }
0x7f: {  	_ =	swait.ge @p1 [sflag:s0], $0x2000  }
0x80: {  	[sflag:s0] =	ssyncset.done @p1 $0x0  }
0x81: {  	[sflag:s0] =	ssyncadd.s32 @p1 $0xFFFFE000  }
0x82: {  	_ =	swait.ge @p1 [sflag:s0], $0x800  }
.Ltmp3:
0x83: {  	[sflag:s0] =	ssyncset.done @p1 $0x0;
	(pc) =	sbr.rel @p2 .LBB2_6-.Ltmp3, $4  }
0x84: {  	[sflag:s0] =	ssyncadd.s32 @p1 $0xFFFFF800  }
0x85: {  	_ =	swait.ge @!p1 [sflag:s31], $0x2000  }
0x86: {  	[sflag:s31] =	ssyncset.done @!p1 $0x0  }
0x87: {  	[sflag:s31] =	ssyncadd.s32 @!p1 $0xFFFFE000  }
.Ltmp4:
0x88: {  	(pc) =	sbr.rel .LBB2_4-.Ltmp4, $3  }
0x89: {  	_ =	sdelay $0x1  }
0x8a: {  	s0 =	sadd.s32 $0x280, s30;
	s29 =	sadd.s32 $0x1, s29;
	s28 =	sadd.s32 $0x800, s28  }
0x8b: {  	[tilespmem:s23], [sflag:$0x1] =	stream.indirect.gather [hbm4b:s1+s21], $0x40, s0, s21, $0xb8;
	[tilespmem:$0x1ED80] =	vst v63  }
.LBB2_7:
0x8c: {  	_ =	sfence.sel $0x180000  }
0x8d: {  	[bflag:$0x0] =	sbarrier.arrive $0xFFFF  }
0x8e: {  	_ =	strace $0x90000047  }
0x8f: {  	s0 =	stileid.u32;
	[bflag:$0x2] =	sbarrier.arrive $0xFFFF  }
0x90: {  	p0 =	sne.s32 s0, $0x0;
	s0 =	rddreg [dreg:$0x4]  }
0x91: {  	s0 =	sadd.s32 @!p0 $0x100000, s0  }
0x92: {  	[sflag:s0] =	ssyncadd.tile.s32 @!p0 $0x1;
	_ =	shalt  }
.Lfunc_end2:
_tile_overlayer_lowered:
.L_overlay_start_2:
0x93: {  	(tag) =	ssettag $0x2  }
0x94: {  	s0 =	rddreg [dreg:$0x0];
	s2 =	stileid.u32  }
0x95: {  	s1 =	rddreg [dreg:$0x1];
	p0 =	sne.s32 s2, $0x0  }
0x96: {  	s3 =	rddreg [dreg:$0x2];
	[bflag:$0x3] =	sbarrier.arrive $0xFFFF;
	s2 =	simm.s32 @!p0 $0x1C03  }
0x97: {  	[timem:s3], [sflag:s2] =	dma.local @!p0 [hbm:s0], s1  }
0x98: {  	s0 =	simm.s32 @!p0 $0x3  }
0x99: {  	_ =	swait.ge @!p0 [sflag:s0], s1  }
0x9a: {  	s1 =	ssub.s32 @!p0 $0x0, s1;
	[sflag:s0] =	ssyncset.done @!p0 $0x0  }
0x9b: {  	[sflag:s0] =	ssyncadd.s32 @!p0 s1  }
0x9c: {  	[bflag:$0x3] =	sbarrier.arrive $0xFFFF  }
0x9d: {  	_ =	shalt  }

</sc_bundles>
